<compile_context>
chip_gen: v7x
topology: tpu7x:2x2x1
jax: 0.10.2.dev20260603
libtpu: 0.0.44.dev20260713+nightly
codegen_flags: <defaults>
</compile_context>

<pallas_src>
import functools

import jax
import jax.numpy as jnp
from jax import lax
from jax.experimental import pallas as pl
from jax.experimental.pallas import tpu as pltpu
from jax.experimental.pallas import tpu_sc as plsc

N_NODES = 10000
N_EDGES = 320000
D_FEAT = 128
D_EDGE = 16

NC = 2
NS = 16
NW = NC * NS

EPW = N_EDGES // NW
CK = 80
OC = 400
UI = OC // CK
NOUT = EPW // OC
RPT = N_NODES // NS
ZR = 25
ZR16 = 125


def _sc_body(x_hbm, src_hbm, dst_hbm, ea_hbm, z128_hbm, z16_hbm, one_hbm,
             a_out, b_out, d_out,
             srcb, dstb, ebuf, rows, onesb, zb,
             acc_a, acc_b, acc_d, gsem):
    cid = lax.axis_index("c")
    sid = lax.axis_index("s")
    wid = cid * NS + sid

    pltpu.sync_copy(z128_hbm, zb)
    pltpu.sync_copy(z16_hbm, ebuf.at[pl.ds(0, ZR16)])

    @pl.loop(0, RPT // ZR)
    def _zero_a(j):
        pltpu.sync_copy(zb, acc_a.at[pl.ds(sid * RPT + j * ZR, ZR)])

    @pl.loop(0, RPT // ZR16)
    def _zero_bd(j):
        r0 = sid * RPT + j * ZR16
        pltpu.sync_copy(ebuf.at[pl.ds(0, ZR16)], acc_b.at[pl.ds(r0, ZR16)])
        pltpu.sync_copy(ebuf.at[pl.ds(0, ZR16)], acc_d.at[pl.ds(r0, ZR16)])

    pltpu.sync_copy(one_hbm, onesb)
    plsc.subcore_barrier()

    @pl.loop(0, NOUT)
    def _outer(c):
        ebase = wid * EPW + c * OC
        pltpu.sync_copy(src_hbm.at[pl.ds(ebase, OC)], srcb)
        pltpu.sync_copy(dst_hbm.at[pl.ds(wid * (EPW // CK) + c * UI, UI)], dstb)
        pltpu.sync_copy(ea_hbm.at[pl.ds(ebase, OC)], ebuf)

        @pl.loop(0, UI)
        def _inner(u):
            pltpu.async_copy(
                x_hbm.at[srcb.at[pl.ds(u * CK, CK)]], rows, gsem).wait()
            pltpu.sync_copy(rows, acc_a.at[dstb.at[u]], add=True)
            pltpu.sync_copy(ebuf.at[pl.ds(u * CK, CK)],
                            acc_b.at[dstb.at[u]], add=True)
            pltpu.sync_copy(onesb, acc_d.at[dstb.at[u]], add=True)

    plsc.subcore_barrier()

    @pl.loop(0, RPT // ZR)
    def _out_a(j):
        r0 = sid * RPT + j * ZR
        pltpu.sync_copy(acc_a.at[pl.ds(r0, ZR)], zb)
        pltpu.sync_copy(zb, a_out.at[cid].at[pl.ds(r0, ZR)])

    @pl.loop(0, RPT // ZR16)
    def _out_bd(j):
        r0 = sid * RPT + j * ZR16
        pltpu.sync_copy(acc_b.at[pl.ds(r0, ZR16)], ebuf.at[pl.ds(0, ZR16)])
        pltpu.sync_copy(ebuf.at[pl.ds(0, ZR16)],
                        b_out.at[cid].at[pl.ds(r0, ZR16)])
        pltpu.sync_copy(acc_d.at[pl.ds(r0, ZR16)], ebuf.at[pl.ds(0, ZR16)])
        pltpu.sync_copy(ebuf.at[pl.ds(0, ZR16)],
                        d_out.at[cid].at[pl.ds(r0, ZR16)])


def _sc_segment_sums(x, src, dst2d, edge_attr, z128, z16, ones16):
    mesh = plsc.VectorSubcoreMesh(core_axis_name="c", subcore_axis_name="s",
                                  num_cores=NC, num_subcores=NS)
    f32 = jnp.float32
    return pl.kernel(
        _sc_body,
        out_type=(
            jax.ShapeDtypeStruct((NC, N_NODES, D_FEAT), f32),
            jax.ShapeDtypeStruct((NC, N_NODES, D_EDGE), f32),
            jax.ShapeDtypeStruct((NC, N_NODES, D_EDGE), f32),
        ),
        mesh=mesh,
        scratch_types=[
            pltpu.VMEM((OC,), jnp.int32),
            pltpu.VMEM((UI, CK), jnp.int32),
            pltpu.VMEM((OC, D_EDGE), f32),
            pltpu.VMEM((CK, D_FEAT), f32),
            pltpu.VMEM((CK, D_EDGE), f32),
            pltpu.VMEM((ZR, D_FEAT), f32),
            pltpu.VMEM_SHARED((N_NODES, D_FEAT), f32),
            pltpu.VMEM_SHARED((N_NODES, D_EDGE), f32),
            pltpu.VMEM_SHARED((N_NODES, D_EDGE), f32),
            pltpu.SemaphoreType.DMA,
        ],
        compiler_params=pltpu.CompilerParams(use_tc_tiling_on_sc=False),
    )(x, src, dst2d, edge_attr, z128, z16, ones16)


ROWS_BLK = 1000


def _finish_body(a_ref, b_ref, d_ref, w_ref, we_ref, bias_ref, o_ref):
    a = a_ref[0] + a_ref[1]
    b = b_ref[0] + b_ref[1]
    deg = jnp.maximum(d_ref[0, :, 0:1] + d_ref[1, :, 0:1], 1.0)
    agg = jnp.dot(a, w_ref[...], preferred_element_type=jnp.float32)
    agg = agg + jnp.dot(b, we_ref[...], preferred_element_type=jnp.float32)
    v = agg / deg + bias_ref[...]
    o_ref[...] = jnp.where(v > 0, v, jnp.exp(v) - 1.0)


def _tc_finish(a_parts, b_parts, d_parts, W, We, bias):
    grid = (N_NODES // ROWS_BLK,)
    return pl.pallas_call(
        _finish_body,
        out_shape=jax.ShapeDtypeStruct((N_NODES, D_FEAT), jnp.float32),
        grid=grid,
        in_specs=[
            pl.BlockSpec((NC, ROWS_BLK, D_FEAT), lambda i: (0, i, 0)),
            pl.BlockSpec((NC, ROWS_BLK, D_EDGE), lambda i: (0, i, 0)),
            pl.BlockSpec((NC, ROWS_BLK, D_EDGE), lambda i: (0, i, 0)),
            pl.BlockSpec((D_FEAT, D_FEAT), lambda i: (0, 0)),
            pl.BlockSpec((D_EDGE, D_FEAT), lambda i: (0, 0)),
            pl.BlockSpec((1, D_FEAT), lambda i: (0, 0)),
        ],
        out_specs=pl.BlockSpec((ROWS_BLK, D_FEAT), lambda i: (i, 0)),
    )(a_parts, b_parts, d_parts, W, We, bias)


@jax.jit
def kernel(x, edge_index, edge_attr, W1, We1, b1, W2, We2, b2):
    src = edge_index[0].astype(jnp.int32)
    dst = edge_index[1].astype(jnp.int32)
    dst2d = dst.reshape(N_EDGES // CK, CK)
    z128 = jnp.zeros((ZR, D_FEAT), jnp.float32)
    z16 = jnp.zeros((ZR16, D_EDGE), jnp.float32)
    ones16 = jnp.ones((CK, D_EDGE), jnp.float32)
    a_parts, b_parts, d_parts = _sc_segment_sums(
        x, src, dst2d, edge_attr, z128, z16, ones16)
    return _tc_finish(a_parts, b_parts, d_parts, W2, We2,
                      b2.reshape(1, D_FEAT))

# --- scband reference (transcript-rebuilt; emitter-appended) ---
"""Pipeline reference for scband-encoder-24137716204050 (READ-ONLY COPY).

The authoritative reference and input builder live on the scoring server;
editing this copy changes nothing except your own understanding.
"""

import jax, jax.numpy as jnp
import numpy as np

N_NODES = 10000
N_EDGES = 320000
D_FEAT = 128
D_EDGE = 16
D_HID = 128


def setup_inputs(seed: int = 0) -> dict:
    key = jax.random.key(seed)
    ks = jax.random.split(key, 10)
    x = jax.random.normal(ks[0], (N_NODES, D_FEAT), dtype=jnp.float32)
    edge_index = jax.random.randint(ks[1], (2, N_EDGES), 0, N_NODES, dtype=jnp.int64)
    edge_attr = jax.random.normal(ks[2], (N_EDGES, D_EDGE), dtype=jnp.float32)
    W1 = jax.random.normal(ks[3], (D_FEAT, D_HID), dtype=jnp.float32) * 0.05
    We1 = jax.random.normal(ks[4], (D_EDGE, D_HID), dtype=jnp.float32) * 0.05
    b1 = jnp.zeros((D_HID,), dtype=jnp.float32)
    W2 = jax.random.normal(ks[5], (D_FEAT, D_HID), dtype=jnp.float32) * 0.05
    We2 = jax.random.normal(ks[6], (D_EDGE, D_HID), dtype=jnp.float32) * 0.05
    b2 = jnp.zeros((D_HID,), dtype=jnp.float32)
    return {"x": x, "edge_index": edge_index, "edge_attr": edge_attr,
            "W1": W1, "We1": We1, "b1": b1, "W2": W2, "We2": We2, "b2": b2}


def _conv(x, edge_index, edge_attr, W, We, b):
    # Edge-conditioned GCN-style conv: message = W x_src + We e, mean-aggregated at dst
    src = edge_index[0]
    dst = edge_index[1]
    n = x.shape[0]
    msg = jnp.take(x, src, axis=0) @ W + edge_attr @ We
    agg = jax.ops.segment_sum(msg, dst, num_segments=n)
    deg = jax.ops.segment_sum(jnp.ones((edge_index.shape[1],), dtype=x.dtype), dst, num_segments=n)
    deg = jnp.maximum(deg, 1.0)
    return agg / deg[:, None] + b


def reference(x, edge_index, edge_attr, W1, We1, b1, W2, We2, b2):
    # Faithful to original forward: each encoder layer is applied to the ORIGINAL x
    # (the loop never reassigns x), and only the last layer's ELU output is returned.
    x_enc = jax.nn.elu(_conv(x, edge_index, edge_attr, W1, We1, b1))
    x_enc = jax.nn.elu(_conv(x, edge_index, edge_attr, W2, We2, b2))
    return x_enc

if __name__ == "__main__":
    import jax
    _d = setup_inputs()
    print(jax.jit(kernel)(*tuple(_d.values())))

</pallas_src>

<mosaic_0001>
#map = affine_map<(d0, d1) -> (0, 0)>
#map1 = affine_map<(d0, d1) -> (0)>
#map2 = affine_map<(d0, d1) -> (0, 0, 0)>
module attributes {stable_mosaic.version = 14 : i64} {
  func.func @_sc_body(%arg0: i32, %arg1: i32, %arg2: memref<10000x128xf32, #tpu.memory_space<hbm>>, %arg3: memref<320000xi32, #tpu.memory_space<hbm>>, %arg4: memref<4000x80xi32, #tpu.memory_space<hbm>>, %arg5: memref<320000x16xf32, #tpu.memory_space<hbm>>, %arg6: memref<25x128xf32, #tpu.memory_space<hbm>>, %arg7: memref<125x16xf32, #tpu.memory_space<hbm>>, %arg8: memref<80x16xf32, #tpu.memory_space<hbm>>, %arg9: memref<2x10000x128xf32, #tpu.memory_space<hbm>>, %arg10: memref<2x10000x16xf32, #tpu.memory_space<hbm>>, %arg11: memref<2x10000x16xf32, #tpu.memory_space<hbm>>, %arg12: memref<400xi32, #tpu.memory_space<vmem>>, %arg13: memref<5x80xi32, #tpu.memory_space<vmem>>, %arg14: memref<400x16xf32, #tpu.memory_space<vmem>>, %arg15: memref<80x128xf32, #tpu.memory_space<vmem>>, %arg16: memref<80x16xf32, #tpu.memory_space<vmem>>, %arg17: memref<25x128xf32, #tpu.memory_space<vmem>>, %arg18: memref<10000x128xf32, #tpu.memory_space<vmem_shared>>, %arg19: memref<10000x16xf32, #tpu.memory_space<vmem_shared>>, %arg20: memref<10000x16xf32, #tpu.memory_space<vmem_shared>>, %arg21: memref<!tpu.dma_semaphore, #tpu.memory_space<semaphore_mem>>) attributes {dimension_semantics = [#tpu.dimension_semantics<core_parallel>, #tpu.dimension_semantics<subcore_parallel>], iteration_bounds = array<i64: 2, 16>, scalar_prefetch = 0 : i64, scratch_operands = 10 : i64, tpu.core_type = #tpu.core_type<sc_vector_subcore>, window_params = [{transform_indices = #map}, {transform_indices = #map1}, {transform_indices = #map}, {transform_indices = #map}, {transform_indices = #map}, {transform_indices = #map}, {transform_indices = #map}, {transform_indices = #map2}, {transform_indices = #map2}, {transform_indices = #map2}]} {
    %mul3A = arith.constant 16 : i32
    %mul3A_0 = arith.muli %arg0, %mul3A : i32
    %add3A = arith.addi %mul3A_0, %arg1 : i32
    "tpu.region"() ({
      %run_scoped3A = tpu.sem_alloc : memref<!tpu.dma_semaphore, #tpu.memory_space<semaphore_mem>>
      tpu.enqueue_dma source(%arg6 : memref<25x128xf32, #tpu.memory_space<hbm>>) target(%arg17 : memref<25x128xf32, #tpu.memory_space<vmem>>) target_semaphore(%run_scoped3A : memref<!tpu.dma_semaphore, #tpu.memory_space<semaphore_mem>>)
      tpu.wait_dma2 semaphore(%run_scoped3A : memref<!tpu.dma_semaphore, #tpu.memory_space<semaphore_mem>>) src(%arg6 : memref<25x128xf32, #tpu.memory_space<hbm>>) dst(%arg17 : memref<25x128xf32, #tpu.memory_space<vmem>>)
      tpu.yield
    }) : () -> ()
    "tpu.region"() ({
      %run_scoped3A = tpu.sem_alloc : memref<!tpu.dma_semaphore, #tpu.memory_space<semaphore_mem>>
      %dma_start3A = arith.constant 0 : i32
      %dma_start3A_26 = arith.constant 0 : i32
      %dma_start3A_27 = tpu.memref_slice %arg14[%dma_start3A, %dma_start3A_26] : memref<400x16xf32, #tpu.memory_space<vmem>> -> memref<125x16xf32, #tpu.memory_space<vmem>>
      %dma_start3A_28 = arith.constant 0 : i32
      %dma_start3A_29 = arith.constant 0 : i32
      %dma_start3A_30 = tpu.memref_slice %arg14[%dma_start3A_28, %dma_start3A_29] : memref<400x16xf32, #tpu.memory_space<vmem>> -> memref<125x16xf32, #tpu.memory_space<vmem>>
      tpu.enqueue_dma source(%arg7 : memref<125x16xf32, #tpu.memory_space<hbm>>) target(%dma_start3A_30 : memref<125x16xf32, #tpu.memory_space<vmem>>) target_semaphore(%run_scoped3A : memref<!tpu.dma_semaphore, #tpu.memory_space<semaphore_mem>>)
      %dma_wait3A = arith.constant 0 : i32
      %dma_wait3A_31 = arith.constant 0 : i32
      %dma_wait3A_32 = tpu.memref_slice %arg14[%dma_wait3A, %dma_wait3A_31] : memref<400x16xf32, #tpu.memory_space<vmem>> -> memref<125x16xf32, #tpu.memory_space<vmem>>
      %dma_wait3A_33 = arith.constant 0 : i32
      %dma_wait3A_34 = arith.constant 0 : i32
      %dma_wait3A_35 = tpu.memref_slice %arg14[%dma_wait3A_33, %dma_wait3A_34] : memref<400x16xf32, #tpu.memory_space<vmem>> -> memref<125x16xf32, #tpu.memory_space<vmem>>
      tpu.wait_dma2 semaphore(%run_scoped3A : memref<!tpu.dma_semaphore, #tpu.memory_space<semaphore_mem>>) src(%arg7 : memref<125x16xf32, #tpu.memory_space<hbm>>) dst(%dma_wait3A_35 : memref<125x16xf32, #tpu.memory_space<vmem>>)
      tpu.yield
    }) : () -> ()
    %scan3A = arith.constant 0 : i32
    %scan3A_1 = arith.constant 25 : i32
    %scan3A_2 = arith.addi %scan3A, %scan3A_1 : i32
    %scan3A_3 = arith.constant 1 : i32
    scf.for %scan3A_26 = %scan3A to %scan3A_2 step %scan3A_3  : i32 {
      %mul3A_27 = arith.constant 1 : i32
      %mul3A_28 = arith.muli %scan3A_26, %mul3A_27 : i32
      %add3A_29 = arith.constant 0 : i32
      %add3A_30 = arith.addi %add3A_29, %mul3A_28 : i32
      %mul3A_31 = arith.constant 625 : i32
      %mul3A_32 = arith.muli %arg1, %mul3A_31 : i32
      %mul3A_33 = arith.constant 25 : i32
      %mul3A_34 = arith.muli %add3A_30, %mul3A_33 : i32
      %add3A_35 = arith.addi %mul3A_32, %mul3A_34 : i32
      "tpu.region"() ({
        %run_scoped3A = tpu.sem_alloc : memref<!tpu.dma_semaphore, #tpu.memory_space<semaphore_mem>>
        %dma_start3A = arith.constant 0 : i32
        %dma_start3A_36 = tpu.memref_slice %arg18[%add3A_35, %dma_start3A] : memref<10000x128xf32, #tpu.memory_space<vmem_shared>> -> memref<25x128xf32, #tpu.memory_space<vmem_shared>>
        %dma_start3A_37 = arith.constant 0 : i32
        %dma_start3A_38 = tpu.memref_slice %arg18[%add3A_35, %dma_start3A_37] : memref<10000x128xf32, #tpu.memory_space<vmem_shared>> -> memref<25x128xf32, #tpu.memory_space<vmem_shared>>
        tpu.enqueue_dma source(%arg17 : memref<25x128xf32, #tpu.memory_space<vmem>>) target(%dma_start3A_38 : memref<25x128xf32, #tpu.memory_space<vmem_shared>>) target_semaphore(%run_scoped3A : memref<!tpu.dma_semaphore, #tpu.memory_space<semaphore_mem>>)
        %dma_wait3A = arith.constant 0 : i32
        %dma_wait3A_39 = tpu.memref_slice %arg18[%add3A_35, %dma_wait3A] : memref<10000x128xf32, #tpu.memory_space<vmem_shared>> -> memref<25x128xf32, #tpu.memory_space<vmem_shared>>
        %dma_wait3A_40 = arith.constant 0 : i32
        %dma_wait3A_41 = tpu.memref_slice %arg18[%add3A_35, %dma_wait3A_40] : memref<10000x128xf32, #tpu.memory_space<vmem_shared>> -> memref<25x128xf32, #tpu.memory_space<vmem_shared>>
        tpu.wait_dma2 semaphore(%run_scoped3A : memref<!tpu.dma_semaphore, #tpu.memory_space<semaphore_mem>>) src(%arg17 : memref<25x128xf32, #tpu.memory_space<vmem>>) dst(%dma_wait3A_41 : memref<25x128xf32, #tpu.memory_space<vmem_shared>>)
        tpu.yield
      }) : () -> ()
    }
    %scan3A_4 = arith.constant 25 : i32
    %scan3A_5 = arith.constant 0 : i32
    %scan3A_6 = arith.constant 5 : i32
    %scan3A_7 = arith.addi %scan3A_5, %scan3A_6 : i32
    %scan3A_8 = arith.constant 1 : i32
    scf.for %scan3A_26 = %scan3A_5 to %scan3A_7 step %scan3A_8  : i32 {
      %mul3A_27 = arith.constant 1 : i32
      %mul3A_28 = arith.muli %scan3A_26, %mul3A_27 : i32
      %add3A_29 = arith.constant 0 : i32
      %add3A_30 = arith.addi %add3A_29, %mul3A_28 : i32
      %mul3A_31 = arith.constant 625 : i32
      %mul3A_32 = arith.muli %arg1, %mul3A_31 : i32
      %mul3A_33 = arith.constant 125 : i32
      %mul3A_34 = arith.muli %add3A_30, %mul3A_33 : i32
      %add3A_35 = arith.addi %mul3A_32, %mul3A_34 : i32
      "tpu.region"() ({
        %run_scoped3A = tpu.sem_alloc : memref<!tpu.dma_semaphore, #tpu.memory_space<semaphore_mem>>
        %dma_start3A = arith.constant 0 : i32
        %dma_start3A_36 = arith.constant 0 : i32
        %dma_start3A_37 = tpu.memref_slice %arg14[%dma_start3A, %dma_start3A_36] : memref<400x16xf32, #tpu.memory_space<vmem>> -> memref<125x16xf32, #tpu.memory_space<vmem>>
        %dma_start3A_38 = arith.constant 0 : i32
        %dma_start3A_39 = tpu.memref_slice %arg19[%add3A_35, %dma_start3A_38] : memref<10000x16xf32, #tpu.memory_space<vmem_shared>> -> memref<125x16xf32, #tpu.memory_space<vmem_shared>>
        %dma_start3A_40 = arith.constant 0 : i32
        %dma_start3A_41 = tpu.memref_slice %arg19[%add3A_35, %dma_start3A_40] : memref<10000x16xf32, #tpu.memory_space<vmem_shared>> -> memref<125x16xf32, #tpu.memory_space<vmem_shared>>
        %dma_start3A_42 = arith.constant 0 : i32
        %dma_start3A_43 = arith.constant 0 : i32
        %dma_start3A_44 = tpu.memref_slice %arg14[%dma_start3A_42, %dma_start3A_43] : memref<400x16xf32, #tpu.memory_space<vmem>> -> memref<125x16xf32, #tpu.memory_space<vmem>>
        tpu.enqueue_dma source(%dma_start3A_44 : memref<125x16xf32, #tpu.memory_space<vmem>>) target(%dma_start3A_41 : memref<125x16xf32, #tpu.memory_space<vmem_shared>>) target_semaphore(%run_scoped3A : memref<!tpu.dma_semaphore, #tpu.memory_space<semaphore_mem>>)
        %dma_wait3A = arith.constant 0 : i32
        %dma_wait3A_45 = arith.constant 0 : i32
        %dma_wait3A_46 = tpu.memref_slice %arg14[%dma_wait3A, %dma_wait3A_45] : memref<400x16xf32, #tpu.memory_space<vmem>> -> memref<125x16xf32, #tpu.memory_space<vmem>>
        %dma_wait3A_47 = arith.constant 0 : i32
        %dma_wait3A_48 = tpu.memref_slice %arg19[%add3A_35, %dma_wait3A_47] : memref<10000x16xf32, #tpu.memory_space<vmem_shared>> -> memref<125x16xf32, #tpu.memory_space<vmem_shared>>
        %dma_wait3A_49 = arith.constant 0 : i32
        %dma_wait3A_50 = tpu.memref_slice %arg19[%add3A_35, %dma_wait3A_49] : memref<10000x16xf32, #tpu.memory_space<vmem_shared>> -> memref<125x16xf32, #tpu.memory_space<vmem_shared>>
        %dma_wait3A_51 = arith.constant 0 : i32
        %dma_wait3A_52 = arith.constant 0 : i32
        %dma_wait3A_53 = tpu.memref_slice %arg14[%dma_wait3A_51, %dma_wait3A_52] : memref<400x16xf32, #tpu.memory_space<vmem>> -> memref<125x16xf32, #tpu.memory_space<vmem>>
        tpu.wait_dma2 semaphore(%run_scoped3A : memref<!tpu.dma_semaphore, #tpu.memory_space<semaphore_mem>>) src(%dma_wait3A_53 : memref<125x16xf32, #tpu.memory_space<vmem>>) dst(%dma_wait3A_50 : memref<125x16xf32, #tpu.memory_space<vmem_shared>>)
        tpu.yield
      }) : () -> ()
      "tpu.region"() ({
        %run_scoped3A = tpu.sem_alloc : memref<!tpu.dma_semaphore, #tpu.memory_space<semaphore_mem>>
        %dma_start3A = arith.constant 0 : i32
        %dma_start3A_36 = arith.constant 0 : i32
        %dma_start3A_37 = tpu.memref_slice %arg14[%dma_start3A, %dma_start3A_36] : memref<400x16xf32, #tpu.memory_space<vmem>> -> memref<125x16xf32, #tpu.memory_space<vmem>>
        %dma_start3A_38 = arith.constant 0 : i32
        %dma_start3A_39 = tpu.memref_slice %arg20[%add3A_35, %dma_start3A_38] : memref<10000x16xf32, #tpu.memory_space<vmem_shared>> -> memref<125x16xf32, #tpu.memory_space<vmem_shared>>
        %dma_start3A_40 = arith.constant 0 : i32
        %dma_start3A_41 = tpu.memref_slice %arg20[%add3A_35, %dma_start3A_40] : memref<10000x16xf32, #tpu.memory_space<vmem_shared>> -> memref<125x16xf32, #tpu.memory_space<vmem_shared>>
        %dma_start3A_42 = arith.constant 0 : i32
        %dma_start3A_43 = arith.constant 0 : i32
        %dma_start3A_44 = tpu.memref_slice %arg14[%dma_start3A_42, %dma_start3A_43] : memref<400x16xf32, #tpu.memory_space<vmem>> -> memref<125x16xf32, #tpu.memory_space<vmem>>
        tpu.enqueue_dma source(%dma_start3A_44 : memref<125x16xf32, #tpu.memory_space<vmem>>) target(%dma_start3A_41 : memref<125x16xf32, #tpu.memory_space<vmem_shared>>) target_semaphore(%run_scoped3A : memref<!tpu.dma_semaphore, #tpu.memory_space<semaphore_mem>>)
        %dma_wait3A = arith.constant 0 : i32
        %dma_wait3A_45 = arith.constant 0 : i32
        %dma_wait3A_46 = tpu.memref_slice %arg14[%dma_wait3A, %dma_wait3A_45] : memref<400x16xf32, #tpu.memory_space<vmem>> -> memref<125x16xf32, #tpu.memory_space<vmem>>
        %dma_wait3A_47 = arith.constant 0 : i32
        %dma_wait3A_48 = tpu.memref_slice %arg20[%add3A_35, %dma_wait3A_47] : memref<10000x16xf32, #tpu.memory_space<vmem_shared>> -> memref<125x16xf32, #tpu.memory_space<vmem_shared>>
        %dma_wait3A_49 = arith.constant 0 : i32
        %dma_wait3A_50 = tpu.memref_slice %arg20[%add3A_35, %dma_wait3A_49] : memref<10000x16xf32, #tpu.memory_space<vmem_shared>> -> memref<125x16xf32, #tpu.memory_space<vmem_shared>>
        %dma_wait3A_51 = arith.constant 0 : i32
        %dma_wait3A_52 = arith.constant 0 : i32
        %dma_wait3A_53 = tpu.memref_slice %arg14[%dma_wait3A_51, %dma_wait3A_52] : memref<400x16xf32, #tpu.memory_space<vmem>> -> memref<125x16xf32, #tpu.memory_space<vmem>>
        tpu.wait_dma2 semaphore(%run_scoped3A : memref<!tpu.dma_semaphore, #tpu.memory_space<semaphore_mem>>) src(%dma_wait3A_53 : memref<125x16xf32, #tpu.memory_space<vmem>>) dst(%dma_wait3A_50 : memref<125x16xf32, #tpu.memory_space<vmem_shared>>)
        tpu.yield
      }) : () -> ()
    }
    %scan3A_9 = arith.constant 5 : i32
    "tpu.region"() ({
      %run_scoped3A = tpu.sem_alloc : memref<!tpu.dma_semaphore, #tpu.memory_space<semaphore_mem>>
      tpu.enqueue_dma source(%arg8 : memref<80x16xf32, #tpu.memory_space<hbm>>) target(%arg16 : memref<80x16xf32, #tpu.memory_space<vmem>>) target_semaphore(%run_scoped3A : memref<!tpu.dma_semaphore, #tpu.memory_space<semaphore_mem>>)
      tpu.wait_dma2 semaphore(%run_scoped3A : memref<!tpu.dma_semaphore, #tpu.memory_space<semaphore_mem>>) src(%arg8 : memref<80x16xf32, #tpu.memory_space<hbm>>) dst(%arg16 : memref<80x16xf32, #tpu.memory_space<vmem>>)
      tpu.yield
    }) : () -> ()
    %barrier3A = arith.constant 0 : index
    tpu.barrier barrier_id(%barrier3A)
    %scan3A_10 = arith.constant 0 : i32
    %scan3A_11 = arith.constant 25 : i32
    %scan3A_12 = arith.addi %scan3A_10, %scan3A_11 : i32
    %scan3A_13 = arith.constant 1 : i32
    scf.for %scan3A_26 = %scan3A_10 to %scan3A_12 step %scan3A_13  : i32 {
      %mul3A_27 = arith.constant 1 : i32
      %mul3A_28 = arith.muli %scan3A_26, %mul3A_27 : i32
      %add3A_29 = arith.constant 0 : i32
      %add3A_30 = arith.addi %add3A_29, %mul3A_28 : i32
      %mul3A_31 = arith.constant 10000 : i32
      %mul3A_32 = arith.muli %add3A, %mul3A_31 : i32
      %mul3A_33 = arith.constant 400 : i32
      %mul3A_34 = arith.muli %add3A_30, %mul3A_33 : i32
      %add3A_35 = arith.addi %mul3A_32, %mul3A_34 : i32
      "tpu.region"() ({
        %run_scoped3A = tpu.sem_alloc : memref<!tpu.dma_semaphore, #tpu.memory_space<semaphore_mem>>
        %dma_start3A = tpu.memref_slice %arg3[%add3A_35] : memref<320000xi32, #tpu.memory_space<hbm>> -> memref<400xi32, #tpu.memory_space<hbm>>
        %dma_start3A_46 = tpu.memref_slice %arg3[%add3A_35] : memref<320000xi32, #tpu.memory_space<hbm>> -> memref<400xi32, #tpu.memory_space<hbm>>
        tpu.enqueue_dma source(%dma_start3A_46 : memref<400xi32, #tpu.memory_space<hbm>>) target(%arg12 : memref<400xi32, #tpu.memory_space<vmem>>) target_semaphore(%run_scoped3A : memref<!tpu.dma_semaphore, #tpu.memory_space<semaphore_mem>>)
        %dma_wait3A = tpu.memref_slice %arg3[%add3A_35] : memref<320000xi32, #tpu.memory_space<hbm>> -> memref<400xi32, #tpu.memory_space<hbm>>
        %dma_wait3A_47 = tpu.memref_slice %arg3[%add3A_35] : memref<320000xi32, #tpu.memory_space<hbm>> -> memref<400xi32, #tpu.memory_space<hbm>>
        tpu.wait_dma2 semaphore(%run_scoped3A : memref<!tpu.dma_semaphore, #tpu.memory_space<semaphore_mem>>) src(%dma_wait3A_47 : memref<400xi32, #tpu.memory_space<hbm>>) dst(%arg12 : memref<400xi32, #tpu.memory_space<vmem>>)
        tpu.yield
      }) : () -> ()
      %mul3A_36 = arith.constant 125 : i32
      %mul3A_37 = arith.muli %add3A, %mul3A_36 : i32
      %mul3A_38 = arith.constant 5 : i32
      %mul3A_39 = arith.muli %add3A_30, %mul3A_38 : i32
      %add3A_40 = arith.addi %mul3A_37, %mul3A_39 : i32
      "tpu.region"() ({
        %run_scoped3A = tpu.sem_alloc : memref<!tpu.dma_semaphore, #tpu.memory_space<semaphore_mem>>
        %dma_start3A = arith.constant 0 : i32
        %dma_start3A_46 = tpu.memref_slice %arg4[%add3A_40, %dma_start3A] : memref<4000x80xi32, #tpu.memory_space<hbm>> -> memref<5x80xi32, #tpu.memory_space<hbm>>
        %dma_start3A_47 = arith.constant 0 : i32
        %dma_start3A_48 = tpu.memref_slice %arg4[%add3A_40, %dma_start3A_47] : memref<4000x80xi32, #tpu.memory_space<hbm>> -> memref<5x80xi32, #tpu.memory_space<hbm>>
        tpu.enqueue_dma source(%dma_start3A_48 : memref<5x80xi32, #tpu.memory_space<hbm>>) target(%arg13 : memref<5x80xi32, #tpu.memory_space<vmem>>) target_semaphore(%run_scoped3A : memref<!tpu.dma_semaphore, #tpu.memory_space<semaphore_mem>>)
        %dma_wait3A = arith.constant 0 : i32
        %dma_wait3A_49 = tpu.memref_slice %arg4[%add3A_40, %dma_wait3A] : memref<4000x80xi32, #tpu.memory_space<hbm>> -> memref<5x80xi32, #tpu.memory_space<hbm>>
        %dma_wait3A_50 = arith.constant 0 : i32
        %dma_wait3A_51 = tpu.memref_slice %arg4[%add3A_40, %dma_wait3A_50] : memref<4000x80xi32, #tpu.memory_space<hbm>> -> memref<5x80xi32, #tpu.memory_space<hbm>>
        tpu.wait_dma2 semaphore(%run_scoped3A : memref<!tpu.dma_semaphore, #tpu.memory_space<semaphore_mem>>) src(%dma_wait3A_51 : memref<5x80xi32, #tpu.memory_space<hbm>>) dst(%arg13 : memref<5x80xi32, #tpu.memory_space<vmem>>)
        tpu.yield
      }) : () -> ()
      "tpu.region"() ({
        %run_scoped3A = tpu.sem_alloc : memref<!tpu.dma_semaphore, #tpu.memory_space<semaphore_mem>>
        %dma_start3A = arith.constant 0 : i32
        %dma_start3A_46 = tpu.memref_slice %arg5[%add3A_35, %dma_start3A] : memref<320000x16xf32, #tpu.memory_space<hbm>> -> memref<400x16xf32, #tpu.memory_space<hbm>>
        %dma_start3A_47 = arith.constant 0 : i32
        %dma_start3A_48 = tpu.memref_slice %arg5[%add3A_35, %dma_start3A_47] : memref<320000x16xf32, #tpu.memory_space<hbm>> -> memref<400x16xf32, #tpu.memory_space<hbm>>
        tpu.enqueue_dma source(%dma_start3A_48 : memref<400x16xf32, #tpu.memory_space<hbm>>) target(%arg14 : memref<400x16xf32, #tpu.memory_space<vmem>>) target_semaphore(%run_scoped3A : memref<!tpu.dma_semaphore, #tpu.memory_space<semaphore_mem>>)
        %dma_wait3A = arith.constant 0 : i32
        %dma_wait3A_49 = tpu.memref_slice %arg5[%add3A_35, %dma_wait3A] : memref<320000x16xf32, #tpu.memory_space<hbm>> -> memref<400x16xf32, #tpu.memory_space<hbm>>
        %dma_wait3A_50 = arith.constant 0 : i32
        %dma_wait3A_51 = tpu.memref_slice %arg5[%add3A_35, %dma_wait3A_50] : memref<320000x16xf32, #tpu.memory_space<hbm>> -> memref<400x16xf32, #tpu.memory_space<hbm>>
        tpu.wait_dma2 semaphore(%run_scoped3A : memref<!tpu.dma_semaphore, #tpu.memory_space<semaphore_mem>>) src(%dma_wait3A_51 : memref<400x16xf32, #tpu.memory_space<hbm>>) dst(%arg14 : memref<400x16xf32, #tpu.memory_space<vmem>>)
        tpu.yield
      }) : () -> ()
      %scan3A_41 = arith.constant 0 : i32
      %scan3A_42 = arith.constant 5 : i32
      %scan3A_43 = arith.addi %scan3A_41, %scan3A_42 : i32
      %scan3A_44 = arith.constant 1 : i32
      scf.for %scan3A_46 = %scan3A_41 to %scan3A_43 step %scan3A_44  : i32 {
        %mul3A_47 = arith.constant 1 : i32
        %mul3A_48 = arith.muli %scan3A_46, %mul3A_47 : i32
        %add3A_49 = arith.constant 0 : i32
        %add3A_50 = arith.addi %add3A_49, %mul3A_48 : i32
        %mul3A_51 = arith.constant 80 : i32
        %mul3A_52 = arith.muli %add3A_50, %mul3A_51 : i32
        %dma_start3A = tpu.memref_slice %arg12[%mul3A_52] : memref<400xi32, #tpu.memory_space<vmem>> -> memref<80xi32, #tpu.memory_space<vmem>>
        %dma_start3A_53 = arith.constant 0 : i32
        %dma_start3A_54 = arith.constant 0 : i32
        %dma_start3A_55 = tpu.memref_slice %arg2[%dma_start3A_53, %dma_start3A_54] : memref<10000x128xf32, #tpu.memory_space<hbm>> -> memref<10000x128xf32, #tpu.memory_space<hbm>>
        tpu.enqueue_indirect_dma source(%dma_start3A_55 : memref<10000x128xf32, #tpu.memory_space<hbm>>) target(%arg15 : memref<80x128xf32, #tpu.memory_space<vmem>>) offsets(%dma_start3A : memref<80xi32, #tpu.memory_space<vmem>>) semaphore(%arg21 : memref<!tpu.dma_semaphore, #tpu.memory_space<semaphore_mem>>)
        %dma_wait3A = tpu.memref_slice %arg12[%mul3A_52] : memref<400xi32, #tpu.memory_space<vmem>> -> memref<80xi32, #tpu.memory_space<vmem>>
        %dma_wait3A_56 = arith.constant 0 : i32
        %dma_wait3A_57 = arith.constant 0 : i32
        %dma_wait3A_58 = tpu.memref_slice %arg2[%dma_wait3A_56, %dma_wait3A_57] : memref<10000x128xf32, #tpu.memory_space<hbm>> -> memref<10000x128xf32, #tpu.memory_space<hbm>>
        tpu.wait_indirect_dma semaphore(%arg21 : memref<!tpu.dma_semaphore, #tpu.memory_space<semaphore_mem>>) src(%dma_wait3A_58 : memref<10000x128xf32, #tpu.memory_space<hbm>>) dst(%arg15 : memref<80x128xf32, #tpu.memory_space<vmem>>)
        "tpu.region"() ({
          %run_scoped3A = tpu.sem_alloc : memref<!tpu.dma_semaphore, #tpu.memory_space<semaphore_mem>>
          %dma_start3A_61 = arith.constant 0 : i32
          %dma_start3A_62 = tpu.memref_slice %arg13[%add3A_50, %dma_start3A_61] : memref<5x80xi32, #tpu.memory_space<vmem>> -> memref<1x80xi32, #tpu.memory_space<vmem>>
          %dma_start3A_63 = tpu.memref_squeeze %dma_start3A_62 : memref<1x80xi32, #tpu.memory_space<vmem>> -> memref<80xi32, #tpu.memory_space<vmem>>
          %dma_start3A_64 = arith.constant 0 : i32
          %dma_start3A_65 = arith.constant 0 : i32
          %dma_start3A_66 = tpu.memref_slice %arg18[%dma_start3A_64, %dma_start3A_65] : memref<10000x128xf32, #tpu.memory_space<vmem_shared>> -> memref<10000x128xf32, #tpu.memory_space<vmem_shared>>
          tpu.enqueue_indirect_dma source(%arg15 : memref<80x128xf32, #tpu.memory_space<vmem>>) target(%dma_start3A_66 : memref<10000x128xf32, #tpu.memory_space<vmem_shared>>) offsets(%dma_start3A_63 : memref<80xi32, #tpu.memory_space<vmem>>) semaphore(%run_scoped3A : memref<!tpu.dma_semaphore, #tpu.memory_space<semaphore_mem>>) {add = true}
          %dma_wait3A_67 = arith.constant 0 : i32
          %dma_wait3A_68 = tpu.memref_slice %arg13[%add3A_50, %dma_wait3A_67] : memref<5x80xi32, #tpu.memory_space<vmem>> -> memref<1x80xi32, #tpu.memory_space<vmem>>
          %dma_wait3A_69 = tpu.memref_squeeze %dma_wait3A_68 : memref<1x80xi32, #tpu.memory_space<vmem>> -> memref<80xi32, #tpu.memory_space<vmem>>
          %dma_wait3A_70 = arith.constant 0 : i32
          %dma_wait3A_71 = arith.constant 0 : i32
          %dma_wait3A_72 = tpu.memref_slice %arg18[%dma_wait3A_70, %dma_wait3A_71] : memref<10000x128xf32, #tpu.memory_space<vmem_shared>> -> memref<10000x128xf32, #tpu.memory_space<vmem_shared>>
          tpu.wait_indirect_dma semaphore(%run_scoped3A : memref<!tpu.dma_semaphore, #tpu.memory_space<semaphore_mem>>) src(%arg15 : memref<80x128xf32, #tpu.memory_space<vmem>>) dst(%dma_wait3A_72 : memref<10000x128xf32, #tpu.memory_space<vmem_shared>>)
          tpu.yield
        }) : () -> ()
        %mul3A_59 = arith.constant 80 : i32
        %mul3A_60 = arith.muli %add3A_50, %mul3A_59 : i32
        "tpu.region"() ({
          %run_scoped3A = tpu.sem_alloc : memref<!tpu.dma_semaphore, #tpu.memory_space<semaphore_mem>>
          %dma_start3A_61 = arith.constant 0 : i32
          %dma_start3A_62 = tpu.memref_slice %arg14[%mul3A_60, %dma_start3A_61] : memref<400x16xf32, #tpu.memory_space<vmem>> -> memref<80x16xf32, #tpu.memory_space<vmem>>
          %dma_start3A_63 = arith.constant 0 : i32
          %dma_start3A_64 = tpu.memref_slice %arg13[%add3A_50, %dma_start3A_63] : memref<5x80xi32, #tpu.memory_space<vmem>> -> memref<1x80xi32, #tpu.memory_space<vmem>>
          %dma_start3A_65 = tpu.memref_squeeze %dma_start3A_64 : memref<1x80xi32, #tpu.memory_space<vmem>> -> memref<80xi32, #tpu.memory_space<vmem>>
          %dma_start3A_66 = arith.constant 0 : i32
          %dma_start3A_67 = arith.constant 0 : i32
          %dma_start3A_68 = tpu.memref_slice %arg19[%dma_start3A_66, %dma_start3A_67] : memref<10000x16xf32, #tpu.memory_space<vmem_shared>> -> memref<10000x16xf32, #tpu.memory_space<vmem_shared>>
          tpu.enqueue_indirect_dma source(%dma_start3A_62 : memref<80x16xf32, #tpu.memory_space<vmem>>) target(%dma_start3A_68 : memref<10000x16xf32, #tpu.memory_space<vmem_shared>>) offsets(%dma_start3A_65 : memref<80xi32, #tpu.memory_space<vmem>>) semaphore(%run_scoped3A : memref<!tpu.dma_semaphore, #tpu.memory_space<semaphore_mem>>) {add = true}
          %dma_wait3A_69 = arith.constant 0 : i32
          %dma_wait3A_70 = tpu.memref_slice %arg14[%mul3A_60, %dma_wait3A_69] : memref<400x16xf32, #tpu.memory_space<vmem>> -> memref<80x16xf32, #tpu.memory_space<vmem>>
          %dma_wait3A_71 = arith.constant 0 : i32
          %dma_wait3A_72 = tpu.memref_slice %arg13[%add3A_50, %dma_wait3A_71] : memref<5x80xi32, #tpu.memory_space<vmem>> -> memref<1x80xi32, #tpu.memory_space<vmem>>
          %dma_wait3A_73 = tpu.memref_squeeze %dma_wait3A_72 : memref<1x80xi32, #tpu.memory_space<vmem>> -> memref<80xi32, #tpu.memory_space<vmem>>
          %dma_wait3A_74 = arith.constant 0 : i32
          %dma_wait3A_75 = arith.constant 0 : i32
          %dma_wait3A_76 = tpu.memref_slice %arg19[%dma_wait3A_74, %dma_wait3A_75] : memref<10000x16xf32, #tpu.memory_space<vmem_shared>> -> memref<10000x16xf32, #tpu.memory_space<vmem_shared>>
          tpu.wait_indirect_dma semaphore(%run_scoped3A : memref<!tpu.dma_semaphore, #tpu.memory_space<semaphore_mem>>) src(%dma_wait3A_70 : memref<80x16xf32, #tpu.memory_space<vmem>>) dst(%dma_wait3A_76 : memref<10000x16xf32, #tpu.memory_space<vmem_shared>>)
          tpu.yield
        }) : () -> ()
        "tpu.region"() ({
          %run_scoped3A = tpu.sem_alloc : memref<!tpu.dma_semaphore, #tpu.memory_space<semaphore_mem>>
          %dma_start3A_61 = arith.constant 0 : i32
          %dma_start3A_62 = tpu.memref_slice %arg13[%add3A_50, %dma_start3A_61] : memref<5x80xi32, #tpu.memory_space<vmem>> -> memref<1x80xi32, #tpu.memory_space<vmem>>
          %dma_start3A_63 = tpu.memref_squeeze %dma_start3A_62 : memref<1x80xi32, #tpu.memory_space<vmem>> -> memref<80xi32, #tpu.memory_space<vmem>>
          %dma_start3A_64 = arith.constant 0 : i32
          %dma_start3A_65 = arith.constant 0 : i32
          %dma_start3A_66 = tpu.memref_slice %arg20[%dma_start3A_64, %dma_start3A_65] : memref<10000x16xf32, #tpu.memory_space<vmem_shared>> -> memref<10000x16xf32, #tpu.memory_space<vmem_shared>>
          tpu.enqueue_indirect_dma source(%arg16 : memref<80x16xf32, #tpu.memory_space<vmem>>) target(%dma_start3A_66 : memref<10000x16xf32, #tpu.memory_space<vmem_shared>>) offsets(%dma_start3A_63 : memref<80xi32, #tpu.memory_space<vmem>>) semaphore(%run_scoped3A : memref<!tpu.dma_semaphore, #tpu.memory_space<semaphore_mem>>) {add = true}
          %dma_wait3A_67 = arith.constant 0 : i32
          %dma_wait3A_68 = tpu.memref_slice %arg13[%add3A_50, %dma_wait3A_67] : memref<5x80xi32, #tpu.memory_space<vmem>> -> memref<1x80xi32, #tpu.memory_space<vmem>>
          %dma_wait3A_69 = tpu.memref_squeeze %dma_wait3A_68 : memref<1x80xi32, #tpu.memory_space<vmem>> -> memref<80xi32, #tpu.memory_space<vmem>>
          %dma_wait3A_70 = arith.constant 0 : i32
          %dma_wait3A_71 = arith.constant 0 : i32
          %dma_wait3A_72 = tpu.memref_slice %arg20[%dma_wait3A_70, %dma_wait3A_71] : memref<10000x16xf32, #tpu.memory_space<vmem_shared>> -> memref<10000x16xf32, #tpu.memory_space<vmem_shared>>
          tpu.wait_indirect_dma semaphore(%run_scoped3A : memref<!tpu.dma_semaphore, #tpu.memory_space<semaphore_mem>>) src(%arg16 : memref<80x16xf32, #tpu.memory_space<vmem>>) dst(%dma_wait3A_72 : memref<10000x16xf32, #tpu.memory_space<vmem_shared>>)
          tpu.yield
        }) : () -> ()
      }
      %scan3A_45 = arith.constant 5 : i32
    }
    %scan3A_14 = arith.constant 25 : i32
    %barrier3A_15 = arith.constant 0 : index
    tpu.barrier barrier_id(%barrier3A_15)
    %scan3A_16 = arith.constant 0 : i32
    %scan3A_17 = arith.constant 25 : i32
    %scan3A_18 = arith.addi %scan3A_16, %scan3A_17 : i32
    %scan3A_19 = arith.constant 1 : i32
    scf.for %scan3A_26 = %scan3A_16 to %scan3A_18 step %scan3A_19  : i32 {
      %mul3A_27 = arith.constant 1 : i32
      %mul3A_28 = arith.muli %scan3A_26, %mul3A_27 : i32
      %add3A_29 = arith.constant 0 : i32
      %add3A_30 = arith.addi %add3A_29, %mul3A_28 : i32
      %mul3A_31 = arith.constant 625 : i32
      %mul3A_32 = arith.muli %arg1, %mul3A_31 : i32
      %mul3A_33 = arith.constant 25 : i32
      %mul3A_34 = arith.muli %add3A_30, %mul3A_33 : i32
      %add3A_35 = arith.addi %mul3A_32, %mul3A_34 : i32
      "tpu.region"() ({
        %run_scoped3A = tpu.sem_alloc : memref<!tpu.dma_semaphore, #tpu.memory_space<semaphore_mem>>
        %dma_start3A = arith.constant 0 : i32
        %dma_start3A_36 = tpu.memref_slice %arg18[%add3A_35, %dma_start3A] : memref<10000x128xf32, #tpu.memory_space<vmem_shared>> -> memref<25x128xf32, #tpu.memory_space<vmem_shared>>
        %dma_start3A_37 = arith.constant 0 : i32
        %dma_start3A_38 = tpu.memref_slice %arg18[%add3A_35, %dma_start3A_37] : memref<10000x128xf32, #tpu.memory_space<vmem_shared>> -> memref<25x128xf32, #tpu.memory_space<vmem_shared>>
        tpu.enqueue_dma source(%dma_start3A_38 : memref<25x128xf32, #tpu.memory_space<vmem_shared>>) target(%arg17 : memref<25x128xf32, #tpu.memory_space<vmem>>) target_semaphore(%run_scoped3A : memref<!tpu.dma_semaphore, #tpu.memory_space<semaphore_mem>>)
        %dma_wait3A = arith.constant 0 : i32
        %dma_wait3A_39 = tpu.memref_slice %arg18[%add3A_35, %dma_wait3A] : memref<10000x128xf32, #tpu.memory_space<vmem_shared>> -> memref<25x128xf32, #tpu.memory_space<vmem_shared>>
        %dma_wait3A_40 = arith.constant 0 : i32
        %dma_wait3A_41 = tpu.memref_slice %arg18[%add3A_35, %dma_wait3A_40] : memref<10000x128xf32, #tpu.memory_space<vmem_shared>> -> memref<25x128xf32, #tpu.memory_space<vmem_shared>>
        tpu.wait_dma2 semaphore(%run_scoped3A : memref<!tpu.dma_semaphore, #tpu.memory_space<semaphore_mem>>) src(%dma_wait3A_41 : memref<25x128xf32, #tpu.memory_space<vmem_shared>>) dst(%arg17 : memref<25x128xf32, #tpu.memory_space<vmem>>)
        tpu.yield
      }) : () -> ()
      "tpu.region"() ({
        %run_scoped3A = tpu.sem_alloc : memref<!tpu.dma_semaphore, #tpu.memory_space<semaphore_mem>>
        %dma_start3A = arith.constant 0 : i32
        %dma_start3A_36 = arith.constant 0 : i32
        %dma_start3A_37 = tpu.memref_slice %arg9[%arg0, %dma_start3A, %dma_start3A_36] : memref<2x10000x128xf32, #tpu.memory_space<hbm>> -> memref<1x10000x128xf32, #tpu.memory_space<hbm>>
        %dma_start3A_38 = tpu.memref_squeeze %dma_start3A_37 : memref<1x10000x128xf32, #tpu.memory_space<hbm>> -> memref<10000x128xf32, #tpu.memory_space<hbm>>
        %dma_start3A_39 = arith.constant 0 : i32
        %dma_start3A_40 = tpu.memref_slice %dma_start3A_38[%add3A_35, %dma_start3A_39] : memref<10000x128xf32, #tpu.memory_space<hbm>> -> memref<25x128xf32, #tpu.memory_space<hbm>>
        %dma_start3A_41 = arith.constant 0 : i32
        %dma_start3A_42 = arith.constant 0 : i32
        %dma_start3A_43 = tpu.memref_slice %arg9[%arg0, %dma_start3A_41, %dma_start3A_42] : memref<2x10000x128xf32, #tpu.memory_space<hbm>> -> memref<1x10000x128xf32, #tpu.memory_space<hbm>>
        %dma_start3A_44 = tpu.memref_squeeze %dma_start3A_43 : memref<1x10000x128xf32, #tpu.memory_space<hbm>> -> memref<10000x128xf32, #tpu.memory_space<hbm>>
        %dma_start3A_45 = arith.constant 0 : i32
        %dma_start3A_46 = tpu.memref_slice %dma_start3A_44[%add3A_35, %dma_start3A_45] : memref<10000x128xf32, #tpu.memory_space<hbm>> -> memref<25x128xf32, #tpu.memory_space<hbm>>
        tpu.enqueue_dma source(%arg17 : memref<25x128xf32, #tpu.memory_space<vmem>>) target(%dma_start3A_46 : memref<25x128xf32, #tpu.memory_space<hbm>>) target_semaphore(%run_scoped3A : memref<!tpu.dma_semaphore, #tpu.memory_space<semaphore_mem>>)
        %dma_wait3A = arith.constant 0 : i32
        %dma_wait3A_47 = arith.constant 0 : i32
        %dma_wait3A_48 = tpu.memref_slice %arg9[%arg0, %dma_wait3A, %dma_wait3A_47] : memref<2x10000x128xf32, #tpu.memory_space<hbm>> -> memref<1x10000x128xf32, #tpu.memory_space<hbm>>
        %dma_wait3A_49 = tpu.memref_squeeze %dma_wait3A_48 : memref<1x10000x128xf32, #tpu.memory_space<hbm>> -> memref<10000x128xf32, #tpu.memory_space<hbm>>
        %dma_wait3A_50 = arith.constant 0 : i32
        %dma_wait3A_51 = tpu.memref_slice %dma_wait3A_49[%add3A_35, %dma_wait3A_50] : memref<10000x128xf32, #tpu.memory_space<hbm>> -> memref<25x128xf32, #tpu.memory_space<hbm>>
        %dma_wait3A_52 = arith.constant 0 : i32
        %dma_wait3A_53 = arith.constant 0 : i32
        %dma_wait3A_54 = tpu.memref_slice %arg9[%arg0, %dma_wait3A_52, %dma_wait3A_53] : memref<2x10000x128xf32, #tpu.memory_space<hbm>> -> memref<1x10000x128xf32, #tpu.memory_space<hbm>>
        %dma_wait3A_55 = tpu.memref_squeeze %dma_wait3A_54 : memref<1x10000x128xf32, #tpu.memory_space<hbm>> -> memref<10000x128xf32, #tpu.memory_space<hbm>>
        %dma_wait3A_56 = arith.constant 0 : i32
        %dma_wait3A_57 = tpu.memref_slice %dma_wait3A_55[%add3A_35, %dma_wait3A_56] : memref<10000x128xf32, #tpu.memory_space<hbm>> -> memref<25x128xf32, #tpu.memory_space<hbm>>
        tpu.wait_dma2 semaphore(%run_scoped3A : memref<!tpu.dma_semaphore, #tpu.memory_space<semaphore_mem>>) src(%arg17 : memref<25x128xf32, #tpu.memory_space<vmem>>) dst(%dma_wait3A_57 : memref<25x128xf32, #tpu.memory_space<hbm>>)
        tpu.yield
      }) : () -> ()
    }
    %scan3A_20 = arith.constant 25 : i32
    %scan3A_21 = arith.constant 0 : i32
    %scan3A_22 = arith.constant 5 : i32
    %scan3A_23 = arith.addi %scan3A_21, %scan3A_22 : i32
    %scan3A_24 = arith.constant 1 : i32
    scf.for %scan3A_26 = %scan3A_21 to %scan3A_23 step %scan3A_24  : i32 {
      %mul3A_27 = arith.constant 1 : i32
      %mul3A_28 = arith.muli %scan3A_26, %mul3A_27 : i32
      %add3A_29 = arith.constant 0 : i32
      %add3A_30 = arith.addi %add3A_29, %mul3A_28 : i32
      %mul3A_31 = arith.constant 625 : i32
      %mul3A_32 = arith.muli %arg1, %mul3A_31 : i32
      %mul3A_33 = arith.constant 125 : i32
      %mul3A_34 = arith.muli %add3A_30, %mul3A_33 : i32
      %add3A_35 = arith.addi %mul3A_32, %mul3A_34 : i32
      "tpu.region"() ({
        %run_scoped3A = tpu.sem_alloc : memref<!tpu.dma_semaphore, #tpu.memory_space<semaphore_mem>>
        %dma_start3A = arith.constant 0 : i32
        %dma_start3A_36 = arith.constant 0 : i32
        %dma_start3A_37 = tpu.memref_slice %arg14[%dma_start3A, %dma_start3A_36] : memref<400x16xf32, #tpu.memory_space<vmem>> -> memref<125x16xf32, #tpu.memory_space<vmem>>
        %dma_start3A_38 = arith.constant 0 : i32
        %dma_start3A_39 = tpu.memref_slice %arg19[%add3A_35, %dma_start3A_38] : memref<10000x16xf32, #tpu.memory_space<vmem_shared>> -> memref<125x16xf32, #tpu.memory_space<vmem_shared>>
        %dma_start3A_40 = arith.constant 0 : i32
        %dma_start3A_41 = arith.constant 0 : i32
        %dma_start3A_42 = tpu.memref_slice %arg14[%dma_start3A_40, %dma_start3A_41] : memref<400x16xf32, #tpu.memory_space<vmem>> -> memref<125x16xf32, #tpu.memory_space<vmem>>
        %dma_start3A_43 = arith.constant 0 : i32
        %dma_start3A_44 = tpu.memref_slice %arg19[%add3A_35, %dma_start3A_43] : memref<10000x16xf32, #tpu.memory_space<vmem_shared>> -> memref<125x16xf32, #tpu.memory_space<vmem_shared>>
        tpu.enqueue_dma source(%dma_start3A_44 : memref<125x16xf32, #tpu.memory_space<vmem_shared>>) target(%dma_start3A_42 : memref<125x16xf32, #tpu.memory_space<vmem>>) target_semaphore(%run_scoped3A : memref<!tpu.dma_semaphore, #tpu.memory_space<semaphore_mem>>)
        %dma_wait3A = arith.constant 0 : i32
        %dma_wait3A_45 = arith.constant 0 : i32
        %dma_wait3A_46 = tpu.memref_slice %arg14[%dma_wait3A, %dma_wait3A_45] : memref<400x16xf32, #tpu.memory_space<vmem>> -> memref<125x16xf32, #tpu.memory_space<vmem>>
        %dma_wait3A_47 = arith.constant 0 : i32
        %dma_wait3A_48 = tpu.memref_slice %arg19[%add3A_35, %dma_wait3A_47] : memref<10000x16xf32, #tpu.memory_space<vmem_shared>> -> memref<125x16xf32, #tpu.memory_space<vmem_shared>>
        %dma_wait3A_49 = arith.constant 0 : i32
        %dma_wait3A_50 = arith.constant 0 : i32
        %dma_wait3A_51 = tpu.memref_slice %arg14[%dma_wait3A_49, %dma_wait3A_50] : memref<400x16xf32, #tpu.memory_space<vmem>> -> memref<125x16xf32, #tpu.memory_space<vmem>>
        %dma_wait3A_52 = arith.constant 0 : i32
        %dma_wait3A_53 = tpu.memref_slice %arg19[%add3A_35, %dma_wait3A_52] : memref<10000x16xf32, #tpu.memory_space<vmem_shared>> -> memref<125x16xf32, #tpu.memory_space<vmem_shared>>
        tpu.wait_dma2 semaphore(%run_scoped3A : memref<!tpu.dma_semaphore, #tpu.memory_space<semaphore_mem>>) src(%dma_wait3A_53 : memref<125x16xf32, #tpu.memory_space<vmem_shared>>) dst(%dma_wait3A_51 : memref<125x16xf32, #tpu.memory_space<vmem>>)
        tpu.yield
      }) : () -> ()
      "tpu.region"() ({
        %run_scoped3A = tpu.sem_alloc : memref<!tpu.dma_semaphore, #tpu.memory_space<semaphore_mem>>
        %dma_start3A = arith.constant 0 : i32
        %dma_start3A_36 = arith.constant 0 : i32
        %dma_start3A_37 = tpu.memref_slice %arg14[%dma_start3A, %dma_start3A_36] : memref<400x16xf32, #tpu.memory_space<vmem>> -> memref<125x16xf32, #tpu.memory_space<vmem>>
        %dma_start3A_38 = arith.constant 0 : i32
        %dma_start3A_39 = arith.constant 0 : i32
        %dma_start3A_40 = tpu.memref_slice %arg10[%arg0, %dma_start3A_38, %dma_start3A_39] : memref<2x10000x16xf32, #tpu.memory_space<hbm>> -> memref<1x10000x16xf32, #tpu.memory_space<hbm>>
        %dma_start3A_41 = tpu.memref_squeeze %dma_start3A_40 : memref<1x10000x16xf32, #tpu.memory_space<hbm>> -> memref<10000x16xf32, #tpu.memory_space<hbm>>
        %dma_start3A_42 = arith.constant 0 : i32
        %dma_start3A_43 = tpu.memref_slice %dma_start3A_41[%add3A_35, %dma_start3A_42] : memref<10000x16xf32, #tpu.memory_space<hbm>> -> memref<125x16xf32, #tpu.memory_space<hbm>>
        %dma_start3A_44 = arith.constant 0 : i32
        %dma_start3A_45 = arith.constant 0 : i32
        %dma_start3A_46 = tpu.memref_slice %arg10[%arg0, %dma_start3A_44, %dma_start3A_45] : memref<2x10000x16xf32, #tpu.memory_space<hbm>> -> memref<1x10000x16xf32, #tpu.memory_space<hbm>>
        %dma_start3A_47 = tpu.memref_squeeze %dma_start3A_46 : memref<1x10000x16xf32, #tpu.memory_space<hbm>> -> memref<10000x16xf32, #tpu.memory_space<hbm>>
        %dma_start3A_48 = arith.constant 0 : i32
        %dma_start3A_49 = tpu.memref_slice %dma_start3A_47[%add3A_35, %dma_start3A_48] : memref<10000x16xf32, #tpu.memory_space<hbm>> -> memref<125x16xf32, #tpu.memory_space<hbm>>
        %dma_start3A_50 = arith.constant 0 : i32
        %dma_start3A_51 = arith.constant 0 : i32
        %dma_start3A_52 = tpu.memref_slice %arg14[%dma_start3A_50, %dma_start3A_51] : memref<400x16xf32, #tpu.memory_space<vmem>> -> memref<125x16xf32, #tpu.memory_space<vmem>>
        tpu.enqueue_dma source(%dma_start3A_52 : memref<125x16xf32, #tpu.memory_space<vmem>>) target(%dma_start3A_49 : memref<125x16xf32, #tpu.memory_space<hbm>>) target_semaphore(%run_scoped3A : memref<!tpu.dma_semaphore, #tpu.memory_space<semaphore_mem>>)
        %dma_wait3A = arith.constant 0 : i32
        %dma_wait3A_53 = arith.constant 0 : i32
        %dma_wait3A_54 = tpu.memref_slice %arg14[%dma_wait3A, %dma_wait3A_53] : memref<400x16xf32, #tpu.memory_space<vmem>> -> memref<125x16xf32, #tpu.memory_space<vmem>>
        %dma_wait3A_55 = arith.constant 0 : i32
        %dma_wait3A_56 = arith.constant 0 : i32
        %dma_wait3A_57 = tpu.memref_slice %arg10[%arg0, %dma_wait3A_55, %dma_wait3A_56] : memref<2x10000x16xf32, #tpu.memory_space<hbm>> -> memref<1x10000x16xf32, #tpu.memory_space<hbm>>
        %dma_wait3A_58 = tpu.memref_squeeze %dma_wait3A_57 : memref<1x10000x16xf32, #tpu.memory_space<hbm>> -> memref<10000x16xf32, #tpu.memory_space<hbm>>
        %dma_wait3A_59 = arith.constant 0 : i32
        %dma_wait3A_60 = tpu.memref_slice %dma_wait3A_58[%add3A_35, %dma_wait3A_59] : memref<10000x16xf32, #tpu.memory_space<hbm>> -> memref<125x16xf32, #tpu.memory_space<hbm>>
        %dma_wait3A_61 = arith.constant 0 : i32
        %dma_wait3A_62 = arith.constant 0 : i32
        %dma_wait3A_63 = tpu.memref_slice %arg10[%arg0, %dma_wait3A_61, %dma_wait3A_62] : memref<2x10000x16xf32, #tpu.memory_space<hbm>> -> memref<1x10000x16xf32, #tpu.memory_space<hbm>>
        %dma_wait3A_64 = tpu.memref_squeeze %dma_wait3A_63 : memref<1x10000x16xf32, #tpu.memory_space<hbm>> -> memref<10000x16xf32, #tpu.memory_space<hbm>>
        %dma_wait3A_65 = arith.constant 0 : i32
        %dma_wait3A_66 = tpu.memref_slice %dma_wait3A_64[%add3A_35, %dma_wait3A_65] : memref<10000x16xf32, #tpu.memory_space<hbm>> -> memref<125x16xf32, #tpu.memory_space<hbm>>
        %dma_wait3A_67 = arith.constant 0 : i32
        %dma_wait3A_68 = arith.constant 0 : i32
        %dma_wait3A_69 = tpu.memref_slice %arg14[%dma_wait3A_67, %dma_wait3A_68] : memref<400x16xf32, #tpu.memory_space<vmem>> -> memref<125x16xf32, #tpu.memory_space<vmem>>
        tpu.wait_dma2 semaphore(%run_scoped3A : memref<!tpu.dma_semaphore, #tpu.memory_space<semaphore_mem>>) src(%dma_wait3A_69 : memref<125x16xf32, #tpu.memory_space<vmem>>) dst(%dma_wait3A_66 : memref<125x16xf32, #tpu.memory_space<hbm>>)
        tpu.yield
      }) : () -> ()
      "tpu.region"() ({
        %run_scoped3A = tpu.sem_alloc : memref<!tpu.dma_semaphore, #tpu.memory_space<semaphore_mem>>
        %dma_start3A = arith.constant 0 : i32
        %dma_start3A_36 = arith.constant 0 : i32
        %dma_start3A_37 = tpu.memref_slice %arg14[%dma_start3A, %dma_start3A_36] : memref<400x16xf32, #tpu.memory_space<vmem>> -> memref<125x16xf32, #tpu.memory_space<vmem>>
        %dma_start3A_38 = arith.constant 0 : i32
        %dma_start3A_39 = tpu.memref_slice %arg20[%add3A_35, %dma_start3A_38] : memref<10000x16xf32, #tpu.memory_space<vmem_shared>> -> memref<125x16xf32, #tpu.memory_space<vmem_shared>>
        %dma_start3A_40 = arith.constant 0 : i32
        %dma_start3A_41 = arith.constant 0 : i32
        %dma_start3A_42 = tpu.memref_slice %arg14[%dma_start3A_40, %dma_start3A_41] : memref<400x16xf32, #tpu.memory_space<vmem>> -> memref<125x16xf32, #tpu.memory_space<vmem>>
        %dma_start3A_43 = arith.constant 0 : i32
        %dma_start3A_44 = tpu.memref_slice %arg20[%add3A_35, %dma_start3A_43] : memref<10000x16xf32, #tpu.memory_space<vmem_shared>> -> memref<125x16xf32, #tpu.memory_space<vmem_shared>>
        tpu.enqueue_dma source(%dma_start3A_44 : memref<125x16xf32, #tpu.memory_space<vmem_shared>>) target(%dma_start3A_42 : memref<125x16xf32, #tpu.memory_space<vmem>>) target_semaphore(%run_scoped3A : memref<!tpu.dma_semaphore, #tpu.memory_space<semaphore_mem>>)
        %dma_wait3A = arith.constant 0 : i32
        %dma_wait3A_45 = arith.constant 0 : i32
        %dma_wait3A_46 = tpu.memref_slice %arg14[%dma_wait3A, %dma_wait3A_45] : memref<400x16xf32, #tpu.memory_space<vmem>> -> memref<125x16xf32, #tpu.memory_space<vmem>>
        %dma_wait3A_47 = arith.constant 0 : i32
        %dma_wait3A_48 = tpu.memref_slice %arg20[%add3A_35, %dma_wait3A_47] : memref<10000x16xf32, #tpu.memory_space<vmem_shared>> -> memref<125x16xf32, #tpu.memory_space<vmem_shared>>
        %dma_wait3A_49 = arith.constant 0 : i32
        %dma_wait3A_50 = arith.constant 0 : i32
        %dma_wait3A_51 = tpu.memref_slice %arg14[%dma_wait3A_49, %dma_wait3A_50] : memref<400x16xf32, #tpu.memory_space<vmem>> -> memref<125x16xf32, #tpu.memory_space<vmem>>
        %dma_wait3A_52 = arith.constant 0 : i32
        %dma_wait3A_53 = tpu.memref_slice %arg20[%add3A_35, %dma_wait3A_52] : memref<10000x16xf32, #tpu.memory_space<vmem_shared>> -> memref<125x16xf32, #tpu.memory_space<vmem_shared>>
        tpu.wait_dma2 semaphore(%run_scoped3A : memref<!tpu.dma_semaphore, #tpu.memory_space<semaphore_mem>>) src(%dma_wait3A_53 : memref<125x16xf32, #tpu.memory_space<vmem_shared>>) dst(%dma_wait3A_51 : memref<125x16xf32, #tpu.memory_space<vmem>>)
        tpu.yield
      }) : () -> ()
      "tpu.region"() ({
        %run_scoped3A = tpu.sem_alloc : memref<!tpu.dma_semaphore, #tpu.memory_space<semaphore_mem>>
        %dma_start3A = arith.constant 0 : i32
        %dma_start3A_36 = arith.constant 0 : i32
        %dma_start3A_37 = tpu.memref_slice %arg14[%dma_start3A, %dma_start3A_36] : memref<400x16xf32, #tpu.memory_space<vmem>> -> memref<125x16xf32, #tpu.memory_space<vmem>>
        %dma_start3A_38 = arith.constant 0 : i32
        %dma_start3A_39 = arith.constant 0 : i32
        %dma_start3A_40 = tpu.memref_slice %arg11[%arg0, %dma_start3A_38, %dma_start3A_39] : memref<2x10000x16xf32, #tpu.memory_space<hbm>> -> memref<1x10000x16xf32, #tpu.memory_space<hbm>>
        %dma_start3A_41 = tpu.memref_squeeze %dma_start3A_40 : memref<1x10000x16xf32, #tpu.memory_space<hbm>> -> memref<10000x16xf32, #tpu.memory_space<hbm>>
        %dma_start3A_42 = arith.constant 0 : i32
        %dma_start3A_43 = tpu.memref_slice %dma_start3A_41[%add3A_35, %dma_start3A_42] : memref<10000x16xf32, #tpu.memory_space<hbm>> -> memref<125x16xf32, #tpu.memory_space<hbm>>
        %dma_start3A_44 = arith.constant 0 : i32
        %dma_start3A_45 = arith.constant 0 : i32
        %dma_start3A_46 = tpu.memref_slice %arg11[%arg0, %dma_start3A_44, %dma_start3A_45] : memref<2x10000x16xf32, #tpu.memory_space<hbm>> -> memref<1x10000x16xf32, #tpu.memory_space<hbm>>
        %dma_start3A_47 = tpu.memref_squeeze %dma_start3A_46 : memref<1x10000x16xf32, #tpu.memory_space<hbm>> -> memref<10000x16xf32, #tpu.memory_space<hbm>>
        %dma_start3A_48 = arith.constant 0 : i32
        %dma_start3A_49 = tpu.memref_slice %dma_start3A_47[%add3A_35, %dma_start3A_48] : memref<10000x16xf32, #tpu.memory_space<hbm>> -> memref<125x16xf32, #tpu.memory_space<hbm>>
        %dma_start3A_50 = arith.constant 0 : i32
        %dma_start3A_51 = arith.constant 0 : i32
        %dma_start3A_52 = tpu.memref_slice %arg14[%dma_start3A_50, %dma_start3A_51] : memref<400x16xf32, #tpu.memory_space<vmem>> -> memref<125x16xf32, #tpu.memory_space<vmem>>
        tpu.enqueue_dma source(%dma_start3A_52 : memref<125x16xf32, #tpu.memory_space<vmem>>) target(%dma_start3A_49 : memref<125x16xf32, #tpu.memory_space<hbm>>) target_semaphore(%run_scoped3A : memref<!tpu.dma_semaphore, #tpu.memory_space<semaphore_mem>>)
        %dma_wait3A = arith.constant 0 : i32
        %dma_wait3A_53 = arith.constant 0 : i32
        %dma_wait3A_54 = tpu.memref_slice %arg14[%dma_wait3A, %dma_wait3A_53] : memref<400x16xf32, #tpu.memory_space<vmem>> -> memref<125x16xf32, #tpu.memory_space<vmem>>
        %dma_wait3A_55 = arith.constant 0 : i32
        %dma_wait3A_56 = arith.constant 0 : i32
        %dma_wait3A_57 = tpu.memref_slice %arg11[%arg0, %dma_wait3A_55, %dma_wait3A_56] : memref<2x10000x16xf32, #tpu.memory_space<hbm>> -> memref<1x10000x16xf32, #tpu.memory_space<hbm>>
        %dma_wait3A_58 = tpu.memref_squeeze %dma_wait3A_57 : memref<1x10000x16xf32, #tpu.memory_space<hbm>> -> memref<10000x16xf32, #tpu.memory_space<hbm>>
        %dma_wait3A_59 = arith.constant 0 : i32
        %dma_wait3A_60 = tpu.memref_slice %dma_wait3A_58[%add3A_35, %dma_wait3A_59] : memref<10000x16xf32, #tpu.memory_space<hbm>> -> memref<125x16xf32, #tpu.memory_space<hbm>>
        %dma_wait3A_61 = arith.constant 0 : i32
        %dma_wait3A_62 = arith.constant 0 : i32
        %dma_wait3A_63 = tpu.memref_slice %arg11[%arg0, %dma_wait3A_61, %dma_wait3A_62] : memref<2x10000x16xf32, #tpu.memory_space<hbm>> -> memref<1x10000x16xf32, #tpu.memory_space<hbm>>
        %dma_wait3A_64 = tpu.memref_squeeze %dma_wait3A_63 : memref<1x10000x16xf32, #tpu.memory_space<hbm>> -> memref<10000x16xf32, #tpu.memory_space<hbm>>
        %dma_wait3A_65 = arith.constant 0 : i32
        %dma_wait3A_66 = tpu.memref_slice %dma_wait3A_64[%add3A_35, %dma_wait3A_65] : memref<10000x16xf32, #tpu.memory_space<hbm>> -> memref<125x16xf32, #tpu.memory_space<hbm>>
        %dma_wait3A_67 = arith.constant 0 : i32
        %dma_wait3A_68 = arith.constant 0 : i32
        %dma_wait3A_69 = tpu.memref_slice %arg14[%dma_wait3A_67, %dma_wait3A_68] : memref<400x16xf32, #tpu.memory_space<vmem>> -> memref<125x16xf32, #tpu.memory_space<vmem>>
        tpu.wait_dma2 semaphore(%run_scoped3A : memref<!tpu.dma_semaphore, #tpu.memory_space<semaphore_mem>>) src(%dma_wait3A_69 : memref<125x16xf32, #tpu.memory_space<vmem>>) dst(%dma_wait3A_66 : memref<125x16xf32, #tpu.memory_space<hbm>>)
        tpu.yield
      }) : () -> ()
    }
    %scan3A_25 = arith.constant 5 : i32
    return
  }
}

module attributes {stable_mosaic.version = 14 : i64} {
  func.func @_finish_body(%arg0: i32, %arg1: memref<2x1000x128xf32, #tpu.memory_space<vmem>>, %arg2: memref<2x1000x16xf32, #tpu.memory_space<vmem>>, %arg3: memref<2x1000x16xf32, #tpu.memory_space<vmem>>, %arg4: memref<128x128xf32, #tpu.memory_space<vmem>>, %arg5: memref<16x128xf32, #tpu.memory_space<vmem>>, %arg6: memref<1x128xf32, #tpu.memory_space<vmem>>, %arg7: memref<1000x128xf32, #tpu.memory_space<vmem>>) attributes {dimension_semantics = [#tpu.dimension_semantics<arbitrary>], iteration_bounds = array<i64: 10>, scalar_prefetch = 0 : i64, scratch_operands = 0 : i64, tpu.core_type = #tpu.core_type<tc>, window_params = [{transform_indices = @transform_0, window_bounds = array<i64: 2, 1000, 128>}, {transform_indices = @transform_1, window_bounds = array<i64: 2, 1000, 16>}, {transform_indices = @transform_2, window_bounds = array<i64: 2, 1000, 16>}, {pipeline_mode = #tpu.pipeline_mode<synchronous>, transform_indices = @transform_3, window_bounds = array<i64: 128, 128>}, {pipeline_mode = #tpu.pipeline_mode<synchronous>, transform_indices = @transform_4, window_bounds = array<i64: 16, 128>}, {pipeline_mode = #tpu.pipeline_mode<synchronous>, transform_indices = @transform_5, window_bounds = array<i64: 1, 128>}, {transform_indices = @transform_6, window_bounds = array<i64: 1000, 128>}]} {
    %get3A = arith.constant 0 : index
    %get3A_0 = arith.constant 0 : index
    %get3A_1 = arith.constant 0 : index
    %get3A_2 = vector.load %arg1[%get3A, %get3A_0, %get3A_1] : memref<2x1000x128xf32, #tpu.memory_space<vmem>>, vector<1x1000x128xf32>
    %get3A_3 = vector.shape_cast %get3A_2 : vector<1x1000x128xf32> to vector<1000x128xf32>
    %get3A_4 = arith.constant 1 : index
    %get3A_5 = arith.constant 0 : index
    %get3A_6 = arith.constant 0 : index
    %get3A_7 = vector.load %arg1[%get3A_4, %get3A_5, %get3A_6] : memref<2x1000x128xf32, #tpu.memory_space<vmem>>, vector<1x1000x128xf32>
    %get3A_8 = vector.shape_cast %get3A_7 : vector<1x1000x128xf32> to vector<1000x128xf32>
    %add3A = arith.addf %get3A_3, %get3A_8 : vector<1000x128xf32>
    %get3A_9 = arith.constant 0 : index
    %get3A_10 = arith.constant 0 : index
    %get3A_11 = arith.constant 0 : index
    %get3A_12 = vector.load %arg2[%get3A_9, %get3A_10, %get3A_11] : memref<2x1000x16xf32, #tpu.memory_space<vmem>>, vector<1x1000x16xf32>
    %get3A_13 = vector.shape_cast %get3A_12 : vector<1x1000x16xf32> to vector<1000x16xf32>
    %get3A_14 = arith.constant 1 : index
    %get3A_15 = arith.constant 0 : index
    %get3A_16 = arith.constant 0 : index
    %get3A_17 = vector.load %arg2[%get3A_14, %get3A_15, %get3A_16] : memref<2x1000x16xf32, #tpu.memory_space<vmem>>, vector<1x1000x16xf32>
    %get3A_18 = vector.shape_cast %get3A_17 : vector<1x1000x16xf32> to vector<1000x16xf32>
    %add3A_19 = arith.addf %get3A_13, %get3A_18 : vector<1000x16xf32>
    %get3A_20 = arith.constant 0 : index
    %get3A_21 = arith.constant 0 : index
    %get3A_22 = arith.constant 0 : index
    %get3A_23 = vector.load %arg3[%get3A_20, %get3A_21, %get3A_22] : memref<2x1000x16xf32, #tpu.memory_space<vmem>>, vector<1x1000x1xf32>
    %get3A_24 = vector.shape_cast %get3A_23 : vector<1x1000x1xf32> to vector<1000x1xf32>
    %get3A_25 = arith.constant 1 : index
    %get3A_26 = arith.constant 0 : index
    %get3A_27 = arith.constant 0 : index
    %get3A_28 = vector.load %arg3[%get3A_25, %get3A_26, %get3A_27] : memref<2x1000x16xf32, #tpu.memory_space<vmem>>, vector<1x1000x1xf32>
    %get3A_29 = vector.shape_cast %get3A_28 : vector<1x1000x1xf32> to vector<1000x1xf32>
    %add3A_30 = arith.addf %get3A_24, %get3A_29 : vector<1000x1xf32>
    %max3A = arith.constant 1.000000e+00 : f32
    %max3A_31 = vector.broadcast %max3A : f32 to vector<1000x1xf32>
    %max3A_32 = arith.maximumf %add3A_30, %max3A_31 : vector<1000x1xf32>
    %get3A_33 = arith.constant 0 : index
    %get3A_34 = arith.constant 0 : index
    %get3A_35 = vector.load %arg4[%get3A_33, %get3A_34] : memref<128x128xf32, #tpu.memory_space<vmem>>, vector<128x128xf32>
    %dot_general3A = arith.constant dense<0.000000e+00> : vector<1000x128xf32>
    %dot_general3A_36 = tpu.matmul %add3A, %get3A_35, %dot_general3A {dimension_numbers = #tpu.dot_dimension_numbers<[1], [0], [0], [1], [0, 0, 1, 1], [], []>, transpose_lhs_hint = false} : vector<1000x128xf32>, vector<128x128xf32>, vector<1000x128xf32> -> vector<1000x128xf32>
    %get3A_37 = arith.constant 0 : index
    %get3A_38 = arith.constant 0 : index
    %get3A_39 = vector.load %arg5[%get3A_37, %get3A_38] : memref<16x128xf32, #tpu.memory_space<vmem>>, vector<16x128xf32>
    %dot_general3A_40 = arith.constant dense<0.000000e+00> : vector<1000x128xf32>
    %dot_general3A_41 = tpu.matmul %add3A_19, %get3A_39, %dot_general3A_40 {dimension_numbers = #tpu.dot_dimension_numbers<[1], [0], [0], [1], [0, 0, 1, 1], [], []>, transpose_lhs_hint = false} : vector<1000x16xf32>, vector<16x128xf32>, vector<1000x128xf32> -> vector<1000x128xf32>
    %add3A_42 = arith.addf %dot_general3A_36, %dot_general3A_41 : vector<1000x128xf32>
    %div3A = vector.broadcast %max3A_32 : vector<1000x1xf32> to vector<1000x128xf32>
    %div3A_43 = arith.divf %add3A_42, %div3A : vector<1000x128xf32>
    %get3A_44 = arith.constant 0 : index
    %get3A_45 = arith.constant 0 : index
    %get3A_46 = vector.load %arg6[%get3A_44, %get3A_45] : memref<1x128xf32, #tpu.memory_space<vmem>>, vector<1x128xf32>
    %add3A_47 = vector.broadcast %get3A_46 : vector<1x128xf32> to vector<1000x128xf32>
    %add3A_48 = arith.addf %div3A_43, %add3A_47 : vector<1000x128xf32>
    %gt3A = arith.constant 0.000000e+00 : f32
    %gt3A_49 = vector.broadcast %gt3A : f32 to vector<1000x128xf32>
    %gt3A_50 = arith.cmpf ogt, %add3A_48, %gt3A_49 : vector<1000x128xf32>
    %exp3A = math.exp %add3A_48 : vector<1000x128xf32>
    %sub3A = arith.constant 1.000000e+00 : f32
    %sub3A_51 = vector.broadcast %sub3A : f32 to vector<1000x128xf32>
    %sub3A_52 = arith.subf %exp3A, %sub3A_51 : vector<1000x128xf32>
    %select_n3A = arith.select %gt3A_50, %add3A_48, %sub3A_52 : vector<1000x128xi1>, vector<1000x128xf32>
    %swap3A = arith.constant 0 : index
    %swap3A_53 = arith.constant 0 : index
    %swap3A_54 = vector.load %arg7[%swap3A, %swap3A_53] : memref<1000x128xf32, #tpu.memory_space<vmem>>, vector<1000x128xf32>
    tpu.vector_store %arg7[%swap3A, %swap3A_53], %select_n3A {strides = array<i32>} : memref<1000x128xf32, #tpu.memory_space<vmem>>, vector<1000x128xf32>,
    return
  }
  func.func @transform_0(%arg0: i32) -> (i32, i32, i32) {
    %c0_i32 = arith.constant 0 : i32
    %c0_i32_0 = arith.constant 0 : i32
    %c0_i32_1 = arith.constant 0 : i32
    return %c0_i32, %arg0, %c0_i32_0 : i32, i32, i32
  }
  func.func @transform_1(%arg0: i32) -> (i32, i32, i32) {
    %c0_i32 = arith.constant 0 : i32
    %c0_i32_0 = arith.constant 0 : i32
    %c0_i32_1 = arith.constant 0 : i32
    return %c0_i32, %arg0, %c0_i32_0 : i32, i32, i32
  }
  func.func @transform_2(%arg0: i32) -> (i32, i32, i32) {
    %c0_i32 = arith.constant 0 : i32
    %c0_i32_0 = arith.constant 0 : i32
    %c0_i32_1 = arith.constant 0 : i32
    return %c0_i32, %arg0, %c0_i32_0 : i32, i32, i32
  }
  func.func @transform_3(%arg0: i32) -> (i32, i32) {
    %c0_i32 = arith.constant 0 : i32
    %c0_i32_0 = arith.constant 0 : i32
    %c0_i32_1 = arith.constant 0 : i32
    return %c0_i32, %c0_i32_0 : i32, i32
  }
  func.func @transform_4(%arg0: i32) -> (i32, i32) {
    %c0_i32 = arith.constant 0 : i32
    %c0_i32_0 = arith.constant 0 : i32
    %c0_i32_1 = arith.constant 0 : i32
    return %c0_i32, %c0_i32_0 : i32, i32
  }
  func.func @transform_5(%arg0: i32) -> (i32, i32) {
    %c0_i32 = arith.constant 0 : i32
    %c0_i32_0 = arith.constant 0 : i32
    %c0_i32_1 = arith.constant 0 : i32
    return %c0_i32, %c0_i32_0 : i32, i32
  }
  func.func @transform_6(%arg0: i32) -> (i32, i32) {
    %c0_i32 = arith.constant 0 : i32
    %c0_i32_0 = arith.constant 0 : i32
    return %arg0, %c0_i32 : i32, i32
  }
}

</mosaic_0001>

<sc_bundles>
// kernel: kernel.4.cloned.1.call-start
scs
__scs_entry_jumppad:
0x0: {  	(pc) =	sbr.rel $0x88, $3  }
0x1: {  	(tag) =	ssettag $0x0;
	lr =	simm.s32 $0x1  }
0x2: {  	[smem:$0x3F9B] =	sst lr;
	_ =	strace $0xD0000000  }
0x3: {  	_ = 	snop  }
0x4: {  	_ = 	snop  }
0x5: {  	_ = 	snop  }
0x6: {  	_ = 	snop  }
0x7: {  	_ = 	snop  }
__scs_overlays_trampoline_lowered:
0x8: {  	[smem:$0x3FAA] =	sst s0  }
0x9: {  	[smem:$0x3FAB] =	sst s1  }
0xa: {  	[smem:$0x3FAC] =	sst s2  }
0xb: {  	[smem:$0x3FAD] =	sst s3  }
0xc: {  	[smem:$0x3FAE] =	sst s4  }
0xd: {  	[smem:$0x3FAF] =	sst s5  }
0xe: {  	[smem:$0x3FB0] =	sst s6  }
0xf: {  	[smem:$0x3FB1] =	sst s7  }
0x10: {  	[smem:$0x3FB2] =	sst s8  }
0x11: {  	[smem:$0x3FB3] =	sst s9;
	s0 =	simm.s32 @!p0 $0x0  }
0x12: {  	s1 =	sld [smem:$0x3F99];
	s0 =	simm.s32 @p0 $0x1  }
0x13: {  	[smem:$0x3FB4] =	sst s0;
	s0 =	simm.s32 @!p1 $0x0  }
0x14: {  	s2 =	sld [smem:$0x3F98];
	s0 =	simm.s32 @p1 $0x1  }
0x15: {  	[smem:$0x3FB5] =	sst s0;
	s0 =	simm.s32 @!p2 $0x0  }
0x16: {  	s3 =	sld [smem:$0x3FDB];
	s0 =	simm.s32 @p2 $0x1  }
0x17: {  	s4 =	simm.s32 $0x1BF5;
	[smem:$0x3FB7] =	sst s0  }
0x18: {  	s0 =	sld [smem:$0x3F9A];
	_ =	swait.ge [sflag:s4], $0x0  }
0x19: {  	s7 =	sld [smem:$0x3F9B]  }
0x1a: {  	s8 =	sadd.s32 $0xFFFFE003, lr  }
0x1b: {  	s9 =	sadd.s32 $0xFFFFFEF7, lr;
	s5 =	simm.s32 $0xFFFFFFFF;
	p2 =	slt.u32 s8, $0xFFFFF086  }
0x1c: {  	p1 =	slt.u32 s9, $0xF7A;
	s5 =	simm.s32 @!p2 $0x0  }
0x1d: {  	s5 =	simm.s32 @p1 $0x1;
	p0 =	seq.s32 s7, s2  }
0x1e: {  	s7 =	smul.u32 @!p0 $0xF7A, s2;
	p2 =	seq.s32 @!p0 s5, $0x0  }
0x1f: {  	s9 =	smul.u32 $0xF7A, s1;
	s8 =	simm.s32 @!p0 $0x1BF5;
	p2 =	por !p2, p0  }
0x20: {  	[sflag:s8] =	ssyncset.s32 @!p0 $0xFFFFF086;
	s6 =	sadd.s32 @!p0 s3, s7;
	s7 =	simm.s32 @!p0 $0x108  }
0x21: {  	s3 =	sadd.s32 s3, s9;
	s6 =	sadd.s32 @!p0 $0x88, s6;
	s7 =	simm.s32 @p2 $0x1082  }
0x22: {  	[simem:s7], [sflag:s8] =	dma.local @!p0 [hbm:s6], $0xF7A  }
0x23: {  	s9 =	sor.u32 $0xD0000000, s2;
	s6 =	simm.s32 $0x108;
	_ =	swait.ge @!p0 [sflag:s8], $0x0  }
0x24: {  	s3 =	sadd.s32 $0x88, s3;
	s6 =	simm.s32 @!p1 $0x1082;
	[sflag:s4] =	ssyncset.s32 $0xFFFFF086  }
0x25: {  	[simem:s6], [sflag:s4] =	dma.local [hbm:s3], $0xF7A  }
0x26: {  	[smem:$0x3F9B] =	sst s1;
	(tag) =	ssettag s2;
	_ =	strace s9  }
0x27: {  	s1 =	sld [smem:$0x3FAB]  }
0x28: {  	s2 =	sld [smem:$0x3FAC]  }
0x29: {  	s4 =	sld [smem:$0x3FAE]  }
0x2a: {  	p0 =	seq.s32 s5, $0x0;
	s5 =	sld [smem:$0x3FAF]  }
0x2b: {  	s6 =	sld [smem:$0x3FB0]  }
0x2c: {  	s7 =	sld [smem:$0x3FB1]  }
0x2d: {  	s3 =	simm.s32 $0x108;
	s8 =	sld [smem:$0x3FB2]  }
0x2e: {  	s3 =	simm.s32 @!p0 $0x1082;
	s9 =	sld [smem:$0x3FB3]  }
0x2f: {  	lr =	sadd.s32 s0, s3;
	s0 =	sld [smem:$0x3FAA]  }
0x30: {  	s3 =	sld [smem:$0x3FAD]  }
0x31: {  	[smem:$0x3FB6] =	sst s10  }
0x32: {  	s10 =	sld [smem:$0x3FB4];
	_ =	sdelay $0x3  }
0x33: {  	p0 =	seq.s32 s10, $0x1;
	s10 =	sld [smem:$0x3FB6];
	_ =	sdelay $0x3  }
0x34: {  	[smem:$0x3FB6] =	sst s10  }
0x35: {  	s10 =	sld [smem:$0x3FB5];
	_ =	sdelay $0x3  }
0x36: {  	p1 =	seq.s32 s10, $0x1;
	s10 =	sld [smem:$0x3FB6];
	_ =	sdelay $0x3  }
0x37: {  	[smem:$0x3FB6] =	sst s10  }
0x38: {  	s10 =	sld [smem:$0x3FB7]  }
0x39: {  	_ = 	snop;
	(pc) =	sbr.ind lr, $3  }
0x3a: {  	_ = 	snop  }
0x3b: {  	_ = 	snop  }
0x3c: {  	p2 =	seq.s32 s10, $0x1;
	s10 =	sld [smem:$0x3FB6]  }
0x3d: {  	_ =	shalt  }
0x3e: {  	_ =	shalt  }
0x3f: {  	_ =	shalt  }
0x40: {  	_ =	shalt  }
0x41: {  	_ =	shalt  }
0x42: {  	_ =	shalt  }
0x43: {  	_ =	shalt  }
0x44: {  	_ =	shalt  }
0x45: {  	_ =	shalt  }
0x46: {  	_ =	shalt  }
0x47: {  	_ =	shalt  }
0x48: {  	_ =	shalt  }
0x49: {  	_ =	shalt  }
0x4a: {  	_ =	shalt  }
0x4b: {  	_ =	shalt  }
0x4c: {  	_ =	shalt  }
0x4d: {  	_ =	shalt  }
0x4e: {  	_ =	shalt  }
0x4f: {  	_ =	shalt  }
0x50: {  	_ =	shalt  }
0x51: {  	_ =	shalt  }
0x52: {  	_ =	shalt  }
0x53: {  	_ =	shalt  }
0x54: {  	_ =	shalt  }
0x55: {  	_ =	shalt  }
0x56: {  	_ =	shalt  }
0x57: {  	_ =	shalt  }
0x58: {  	_ =	shalt  }
0x59: {  	_ =	shalt  }
0x5a: {  	_ =	shalt  }
0x5b: {  	_ =	shalt  }
0x5c: {  	_ =	shalt  }
0x5d: {  	_ =	shalt  }
0x5e: {  	_ =	shalt  }
0x5f: {  	_ =	shalt  }
0x60: {  	_ =	shalt  }
0x61: {  	_ =	shalt  }
0x62: {  	_ =	shalt  }
0x63: {  	_ =	shalt  }
0x64: {  	_ =	shalt  }
0x65: {  	_ =	shalt  }
0x66: {  	_ =	shalt  }
0x67: {  	_ =	shalt  }
0x68: {  	_ =	shalt  }
0x69: {  	_ =	shalt  }
0x6a: {  	_ =	shalt  }
0x6b: {  	_ =	shalt  }
0x6c: {  	_ =	shalt  }
0x6d: {  	_ =	shalt  }
0x6e: {  	_ =	shalt  }
0x6f: {  	_ =	shalt  }
0x70: {  	_ =	shalt  }
0x71: {  	_ =	shalt  }
0x72: {  	_ =	shalt  }
0x73: {  	_ =	shalt  }
0x74: {  	_ =	shalt  }
0x75: {  	_ =	shalt  }
0x76: {  	_ =	shalt  }
0x77: {  	_ =	shalt  }
0x78: {  	_ =	shalt  }
0x79: {  	_ =	shalt  }
0x7a: {  	_ =	shalt  }
0x7b: {  	_ =	shalt  }
0x7c: {  	_ =	shalt  }
0x7d: {  	_ =	shalt  }
0x7e: {  	_ =	shalt  }
0x7f: {  	_ =	shalt  }
0x80: {  	_ =	shalt  }
0x81: {  	_ =	shalt  }
0x82: {  	_ =	shalt  }
0x83: {  	_ =	shalt  }
0x84: {  	_ =	shalt  }
0x85: {  	_ =	shalt  }
0x86: {  	_ =	shalt  }
0x87: {  	_ =	shalt  }
.Lfunc_end0:
.L_simem_size_0:
called_computation_lowered:
.L_overlay_start_0:
0x88: {  	s2 =	sld [smem:$0x3FD9]  }
0x89: {  	s3 =	sld [smem:$0x3FFE];
	_ =	sdelay $0x1  }
0x8a: {  	s1 =	srdreg.scid  }
0x8b: {  	s0 =	sand.u32 $0x1, s1  }
0x8c: {  	s17 =	sshll.u32 s0, $0xA;
	s2 =	sadd.s32 s3, s2  }
0x8d: {  	s2 =	sadd.s32 s2, s17  }
0x8e: {  	[smem:$0x3FC2] =	sst s2  }
0x8f: {  	_ = 	snop  }
0x90: {  	s2 =	sld [smem:$0x3FC9]  }
0x91: {  	s18 =	sld [smem:$0x3FD0];
	(tm) =	ssettm $0x1  }
0x92: {  	s4 =	sld [smem:$0x3FFB];
	_ =	sdelay $0x3  }
0x93: {  	_ =	strace s4  }
0x94: {  	s4 =	sld [smem:$0x3FFC];
	_ =	sdelay $0x3  }
0x95: {  	_ =	strace s4  }
0x96: {  	s4 =	sld [smem:$0x3FFD];
	_ =	sdelay $0x3  }
0x97: {  	_ =	strace s4  }
0x98: {  	_ =	strace $0x8FFFFFFF  }
0x99: {  	s19 =	sld [smem:$0x3FDB];
	_ =	sdelay $0x1  }
0x9a: {  	s5 =	simm.s32 $_scs_section_size  }
0x9b: {  	s6 =	simm.s32 $_size__tile_overlayer_lowered;
	s7 =	simm.s32 $_tile_overlayer_lowered  }
0x9c: {  	s22 =	simm.s32 $0x1BFF;
	s21 =	sshll.u32 s7, $0x1;
	s4 =	sadd.s32 s5, s19  }
0x9d: {  	s8 =	simm.s32 $0x0;
	s20 =	sshll.u32 s6, $0x1;
	s6 =	sadd.s32 s21, s4  }
0x9e: {  	[timem:s8], [sflag:s22] =	dma.local [hbm:s6], s20  }
0x9f: {  	_ =	swait.ge [sflag:s22], s20  }
0xa0: {  	s5 =	ssub.s32 $0x0, s20;
	[sflag:s22] =	ssyncset.done $0x0  }
0xa1: {  	[sflag:s22] =	ssyncadd.s32 s5;
	_ =	sdelay $0x1  }
0xa2: {  	s23 =	simm.s32 $0x1B8B  }
0xa3: {  	_ =	swait.ge [sflag:s23], $0x1  }
0xa4: {  	[sflag:s23] =	ssyncset.done $0x0  }
0xa5: {  	s25 =	simm.s32 $0x1B8E;
	s24 =	sld [smem:$0x3FFE];
	[sflag:s23] =	ssyncadd.s32 $0xFFFFFFFF  }
0xa6: {  	s26 =	simm.s32 $execute0_lowered;
	[smem:$0x3FD2] =	sst s25  }
0xa7: {  	s6 =	sshll.u32 s26, $0x1;
	_ =	strace $0x80000046;
	[dreg:$0x1] =	wrdreg $0xFFFFFFFF  }
0xa8: {  	s28 =	simm.s32 $_size_execute0_lowered;
	s4 =	sadd.s32 s4, s6;
	[dreg:$0x0] =	wrdreg $0x0  }
0xa9: {  	s6 =	sshll.u32 s28, $0x1;
	[dreg:$0x2] =	wrdreg s4  }
0xaa: {  	[dreg:$0x3] =	wrdreg s6  }
0xab: {  	[dreg:$0x4] =	wrdreg $0xC0  }
0xac: {  	_ =	task [dreg:s8], $0x5FFFF  }
0xad: {  	[dreg:$0x1] =	wrdreg $0xFFFFFFFF  }
0xae: {  	[dreg:$0x0] =	wrdreg $0x60  }
0xaf: {  	[dreg:$0x2] =	wrdreg s2  }
0xb0: {  	[dreg:$0x3] =	wrdreg s24  }
0xb1: {  	[dreg:$0x4] =	wrdreg s18  }
0xb2: {  	[dreg:$0x5] =	wrdreg $0x55A00  }
0xb3: {  	[dreg:$0x6] =	wrdreg $0x18E200  }
0xb4: {  	[dreg:$0x7] =	wrdreg $0x1B5300  }
0xb5: {  	[dreg:$0x8] =	wrdreg $0x9  }
0xb6: {  	_ =	task.clear_ibuf [dreg:s8], $0x9FFFF;
	_ =	strace $0x90000046  }
0xb7: {  	s29 =	simm.s32 $0x9;
	_ =	strace $0x80000048  }
0xb8: {  	_ =	swait.ge [sflag:s29], $0x1  }
0xb9: {  	[sflag:s29] =	ssyncadd.s32 $0xFFFFFFFF  }
0xba: {  	_ =	strace $0x90000048  }
0xbb: {  	_ =	sfence  }
0xbc: {  	s30 =	sld [smem:$0x0];
	_ =	sdelay $0x2  }
0xbd: {  	s31 =	sshll.u32 s1, $0xD;
	s1 =	sshrl.u32 s1, $0x2  }
0xbe: {  	s3 =	sand.u32 $0x4000, s31;
	s1 =	sadd.s32 s1, s30  }
0xbf: {  	s0 =	sor.u32 s3, s0;
	s1 =	sshll.u32 s1, $0x11  }
0xc0: {  	s0 =	sor.u32 s1, s0  }
0xc1: {  	s0 =	sadd.s32 $0x8F2B, s0  }
0xc2: {  	[sflag:s0] =	ssyncadd.remote.s32 $0x1  }
0xc3: {  	_ =	sfence.sel $0xFFFF  }
0xc4: {  	[dreg:$0x0] =	wrdreg $0xFFFFFFFF;
	(pc) =	sbr.abs _section_cstart, $3  }
0xc5: {  	[dreg:$0x1] =	wrdreg $0xFFFFFFFF  }
0xc6: {  	_ =	task.clear_ibuf [dreg:s8], $0x2FFFF;
	_ =	strace $0x9FFFFFFF  }
0xc7: {  	(tm) =	ssettm $0x7FFFFFFF  }
tec
execute0_lowered:
.L_overlay_start_1:
0x0: {  	(tag) =	ssettag $0x1  }
0x1: {  	s0 =	rddreg [dreg:$0x0]  }
0x2: {  	s1 =	rddreg [dreg:$0x1]  }
0x3: {  	s3 =	rddreg [dreg:$0x2]  }
0x4: {  	s4 =	srdreg.scid;
	s2 =	rddreg [dreg:$0x3]  }
0x5: {  	s18 =	stileid.u32;
	s5 =	rddreg [dreg:$0x5]  }
0x6: {  	s6 =	simm.s32 $0x0;
	s29 =	simm.s32 $0x1720;
	s28 =	simm.s32 $0x0  }
0x7: {  	s7 =	sand.u32 $0x1, s4;
	s4 =	rddreg [dreg:$0x4];
	s9 =	smul.u32 $0x2710, s18  }
0x8: {  	[smem:$0x7FF] =	sst s6;
	s15 =	sadd.s32 $0xA800, s1;
	s14 =	smul.u32 $0x271, s18  }
0x9: {  	s16 =	sadd.s32 $0xAC00, s1;
	s17 =	sadd.s32 $0xAA00, s1;
	s8 =	smul.u32 $0x27100, s7  }
0xa: {  	s11 =	smul.u32 $0x4E200, s7;
	_ =	strace $0x80000047;
	[dreg:$0x8] =	wrdreg s15  }
0xb: {  	[dreg:$0x9] =	wrdreg s16;
	s13 =	smul.u32 $0x4E20, s7;
	s7 =	ssub.s32 $0x2, s7  }
0xc: {  	[dreg:$0xa] =	wrdreg s17;
	s16 =	smul.u32 $0x4E20, s18;
	s19 =	sshrl.u32 s7, $0x1  }
0xd: {  	s21 =	sadd.s32 s9, s4;
	s22 =	sadd.s32 s9, s5;
	s24 =	sadd.s32 $0xFA, s14  }
0xe: {  	s31 =	sadd.s32 $0x177, s14;
	s10 =	sadd.s32 s9, s8;
	s12 =	sadd.s32 s11, s1  }
0xf: {  	s8 =	sadd.s32 s8, s1;
	s7 =	ssub.s32 s7, s19;
	[dreg:$0xd] =	wrdreg s21  }
0x10: {  	[dreg:$0xf] =	wrdreg s22;
	s26 =	sshll.u32 s24, $0x4;
	s3 =	sadd.s32 s13, s3  }
0x11: {  	s22 =	smul.u32 $0x4E200, s18;
	s10 =	sshrl.u32 s10, $0x3;
	s8 =	sadd.s32 $0x1EA00, s8  }
0x12: {  	s7 =	smax.u32 s7, $0x1;
	s11 =	sadd.s32 s26, s4;
	s10 =	sadd.s32 s10, s1  }
0x13: {  	s1 =	sadd.s32 s13, s1;
	[dreg:$0xe] =	wrdreg s7;
	s7 =	sadd.s32 s16, s12  }
0x14: {  	s17 =	sadd.s32 s8, s9;
	[dreg:$0x12] =	wrdreg s11;
	s20 =	sadd.s32 $0x14C00, s1  }
0x15: {  	s16 =	sshll.u32 s31, $0x4;
	s1 =	sadd.s32 $0xAE00, s1;
	[dreg:$0xb] =	wrdreg s20  }
0x16: {  	s13 =	simm.s32 $0x190;
	s10 =	sadd.s32 $0xA00, s10;
	[dreg:$0xc] =	wrdreg s1  }
0x17: {  	s12 =	simm.s32 $0x50;
	s19 =	sadd.s32 s16, s4;
	[dreg:$0x7] =	wrdreg s10  }
0x18: {  	s9 =	sadd.s32 s16, s5;
	s16 =	simm.s32 $0x1E0;
	[dreg:$0x14] =	wrdreg s19  }
0x19: {  	s1 =	sadd.s32 $0x7D, s14;
	s10 =	sadd.s32 s26, s5;
	[dreg:$0x15] =	wrdreg s9  }
0x1a: {  	s26 =	smul.u32 $0x4E2, s18;
	s9 =	simm.s32 $0x4420;
	s18 =	simm.s32 $0x820  }
0x1b: {  	s15 =	sshll.u32 s1, $0x4;
	[dreg:$0x13] =	wrdreg s10;
	s1 =	sshll.u32 s1, $0x1  }
0x1c: {  	s19 =	simm.s32 $0xA0;
	s23 =	sadd.s32 s15, s4;
	[dreg:$0x18] =	wrdreg s1  }
0x1d: {  	s25 =	sadd.s32 s15, s5;
	s15 =	sadd.s32 $0x1F4, s14;
	[dreg:$0x1b] =	wrdreg s26  }
0x1e: {  	s3 =	sadd.s32 s26, s3;
	s1 =	simm.s32 $0x4920;
	[dreg:$0x10] =	wrdreg s23  }
0x1f: {  	s14 =	simm.s32 $0x1C20;
	s26 =	simm.s32 $0x2D0;
	[dreg:$0x11] =	wrdreg s25  }
0x20: {  	s20 =	sshll.u32 s15, $0x4;
	s23 =	sshll.u32 s24, $0x1;
	s24 =	sshll.u32 s31, $0x1  }
0x21: {  	s25 =	sshrl.u32 s22, $0x2;
	s8 =	sshll.u32 s15, $0x1;
	s31 =	sadd.s32 $0x4EC800, s7  }
0x22: {  	s7 =	simm.s32 $0x2;
	s15 =	simm.s32 $0x1;
	[dreg:$0x19] =	wrdreg s23  }
0x23: {  	s22 =	simm.s32 $0xF0;
	s21 =	sadd.s32 s20, s4;
	[dreg:$0x1a] =	wrdreg s24  }
0x24: {  	s11 =	sadd.s32 s20, s5;
	[dreg:$0x1c] =	wrdreg s8;
	s30 =	sadd.s32 s25, s2  }
0x25: {  	[dreg:$0x1d] =	wrdreg s31;
	s8 =	simm.s32 $0x320;
	s20 =	simm.s32 $0x230  }
0x26: {  	s23 =	simm.s32 $0x280;
	s24 =	simm.s32 $0x1220;
	[dreg:$0x16] =	wrdreg s21  }
0x27: {  	s25 =	simm.s32 $0x140;
	s21 =	simm.s32 $0xD20;
	[dreg:$0x17] =	wrdreg s11  }
.LBB2_1:
0x28: {  	[dreg:$0x1e] =	wrdreg s28  }
0x29: {  	s10 =	rddreg [dreg:$0x8]  }
0x2a: {  	[tilespmem:s1], [sflag:$0x2] =	stream.linear.gather [hbm4b:s10+s6], $0xC80, $0x38;
	[tilespmem:$0x1DC40] =	vst v63  }
0x2b: {  	_ =	swait.ge [sflag:s7], $0xC80  }
0x2c: {  	[sflag:s7] =	ssyncset.done $0x0  }
0x2d: {  	s28 =	rddreg [dreg:$0x9];
	[sflag:s7] =	ssyncadd.s32 $0xFFFFF380  }
0x2e: {  	[tilespmem:s8], [sflag:$0x2] =	stream.linear.gather [hbm4b:s28+s6], $0x7D0, $0x38;
	[tilespmem:$0x1DC40] =	vst v63  }
0x2f: {  	_ =	swait.ge [sflag:s7], $0x7D0  }
0x30: {  	[sflag:s7] =	ssyncset.done $0x0  }
0x31: {  	s31 =	sadd.s32 $0x0, s30;
	[sflag:s7] =	ssyncadd.s32 $0xFFFFF830  }
0x32: {  	[spmem:s31] =	stream.linear.scatter [tilespmem:s1], [sflag:$0x2], $0xC80, $0x38;
	[tilespmem:$0x1DC40] =	vst v63  }
0x33: {  	s10 =	simm.s32 $0x3200;
	_ =	swait.ge [sflag:s7], $0xC80  }
.LBB2_2:
0x34: {  	s31 =	sshra.s32 s10, $0x2;
	[sflag:s7] =	ssyncset.done $0x0;
	p0 =	sne.s32 s10, $0x4B000  }
.Ltmp0:
0x35: {  	s31 =	sadd.s32 s31, s30;
	[sflag:s7] =	ssyncadd.s32 $0xFFFFF380;
	(pc) =	sbr.rel @p0 .LBB2_2-.Ltmp0, $3  }
0x36: {  	[spmem:s31] =	stream.linear.scatter [tilespmem:s1], [sflag:$0x2], $0xC80, $0x38;
	[tilespmem:$0x1DC40] =	vst v63  }
0x37: {  	s10 =	sadd.s32 $0x3200, s10;
	_ =	sdelay $0x1  }
0x38: {  	_ =	swait.ge [sflag:s7], $0xC80  }
0x39: {  	[sflag:s7] =	ssyncset.done $0x0  }
0x3a: {  	s10 =	rddreg [dreg:$0xd];
	[sflag:s7] =	ssyncadd.s32 $0xFFFFF380  }
0x3b: {  	[spmem:s10] =	stream.linear.scatter [tilespmem:s8], [sflag:$0x2], $0x7D0, $0x38;
	[tilespmem:$0x1DC40] =	vst v63  }
0x3c: {  	_ =	swait.ge [sflag:s7], $0x7D0  }
0x3d: {  	[sflag:s7] =	ssyncset.done $0x0  }
0x3e: {  	s28 =	rddreg [dreg:$0xf];
	[sflag:s7] =	ssyncadd.s32 $0xFFFFF830  }
0x3f: {  	[spmem:s28] =	stream.linear.scatter [tilespmem:s8], [sflag:$0x2], $0x7D0, $0x38;
	[tilespmem:$0x1DC40] =	vst v63  }
0x40: {  	_ =	swait.ge [sflag:s7], $0x7D0  }
0x41: {  	[sflag:s7] =	ssyncset.done $0x0  }
0x42: {  	s28 =	rddreg [dreg:$0x10];
	[sflag:s7] =	ssyncadd.s32 $0xFFFFF830  }
0x43: {  	[spmem:s28] =	stream.linear.scatter [tilespmem:s8], [sflag:$0x2], $0x7D0, $0x38;
	[tilespmem:$0x1DC40] =	vst v63  }
0x44: {  	_ =	swait.ge [sflag:s7], $0x7D0  }
0x45: {  	[sflag:s7] =	ssyncset.done $0x0  }
0x46: {  	s28 =	rddreg [dreg:$0x11];
	[sflag:s7] =	ssyncadd.s32 $0xFFFFF830  }
0x47: {  	[spmem:s28] =	stream.linear.scatter [tilespmem:s8], [sflag:$0x2], $0x7D0, $0x38;
	[tilespmem:$0x1DC40] =	vst v63  }
0x48: {  	_ =	swait.ge [sflag:s7], $0x7D0  }
0x49: {  	[sflag:s7] =	ssyncset.done $0x0  }
0x4a: {  	s28 =	rddreg [dreg:$0x12];
	[sflag:s7] =	ssyncadd.s32 $0xFFFFF830  }
0x4b: {  	[spmem:s28] =	stream.linear.scatter [tilespmem:s8], [sflag:$0x2], $0x7D0, $0x38;
	[tilespmem:$0x1DC40] =	vst v63  }
0x4c: {  	_ =	swait.ge [sflag:s7], $0x7D0  }
0x4d: {  	[sflag:s7] =	ssyncset.done $0x0  }
0x4e: {  	s28 =	rddreg [dreg:$0x13];
	[sflag:s7] =	ssyncadd.s32 $0xFFFFF830  }
0x4f: {  	[spmem:s28] =	stream.linear.scatter [tilespmem:s8], [sflag:$0x2], $0x7D0, $0x38;
	[tilespmem:$0x1DC40] =	vst v63  }
0x50: {  	_ =	swait.ge [sflag:s7], $0x7D0  }
0x51: {  	[sflag:s7] =	ssyncset.done $0x0  }
0x52: {  	s28 =	rddreg [dreg:$0x14];
	[sflag:s7] =	ssyncadd.s32 $0xFFFFF830  }
0x53: {  	[spmem:s28] =	stream.linear.scatter [tilespmem:s8], [sflag:$0x2], $0x7D0, $0x38;
	[tilespmem:$0x1DC40] =	vst v63  }
0x54: {  	_ =	swait.ge [sflag:s7], $0x7D0  }
0x55: {  	[sflag:s7] =	ssyncset.done $0x0  }
0x56: {  	s28 =	rddreg [dreg:$0x15];
	[sflag:s7] =	ssyncadd.s32 $0xFFFFF830  }
0x57: {  	[spmem:s28] =	stream.linear.scatter [tilespmem:s8], [sflag:$0x2], $0x7D0, $0x38;
	[tilespmem:$0x1DC40] =	vst v63  }
0x58: {  	_ =	swait.ge [sflag:s7], $0x7D0  }
0x59: {  	[sflag:s7] =	ssyncset.done $0x0  }
0x5a: {  	s28 =	rddreg [dreg:$0x16];
	[sflag:s7] =	ssyncadd.s32 $0xFFFFF830  }
0x5b: {  	[spmem:s28] =	stream.linear.scatter [tilespmem:s8], [sflag:$0x2], $0x7D0, $0x38;
	[tilespmem:$0x1DC40] =	vst v63  }
0x5c: {  	_ =	swait.ge [sflag:s7], $0x7D0  }
0x5d: {  	[sflag:s7] =	ssyncset.done $0x0  }
0x5e: {  	[sflag:s7] =	ssyncadd.s32 $0xFFFFF830  }
0x5f: {  	[spmem:s11] =	stream.linear.scatter [tilespmem:s8], [sflag:$0x2], $0x7D0, $0x38;
	[tilespmem:$0x1DC40] =	vst v63  }
0x60: {  	_ =	swait.ge [sflag:s7], $0x7D0  }
0x61: {  	[sflag:s7] =	ssyncset.done $0x0  }
0x62: {  	s11 =	simm.s32 $0x0;
	s28 =	rddreg [dreg:$0xa];
	[sflag:s7] =	ssyncadd.s32 $0xFFFFF830  }
0x63: {  	[tilespmem:s9], [sflag:$0x2] =	stream.linear.gather [hbm4b:s28+s11], $0x500, $0x38;
	[tilespmem:$0x1DC40] =	vst v63  }
0x64: {  	_ =	swait.ge [sflag:s7], $0x500  }
0x65: {  	[sflag:s7] =	ssyncset.done $0x0  }
0x66: {  	[sflag:s7] =	ssyncadd.s32 $0xFFFFFB00  }
0x67: {  	[bflag:$0x0] =	sbarrier.arrive $0xFFFF  }
0x68: {  	s11 =	rddreg [dreg:$0x7]  }
0x69: {  	s10 =	sadd.s32 $0x0, s11  }
0x6a: {  	[tilespmem:s6], [sflag:$0x2] =	stream.linear.gather [hbm4b:s10+s6], $0x190, $0x38;
	[tilespmem:$0x1DC40] =	vst v63  }
0x6b: {  	_ =	swait.ge [sflag:s7], $0x190  }
0x6c: {  	[sflag:s7] =	ssyncset.done $0x0  }
0x6d: {  	s28 =	sadd.s32 $0x0, s3;
	[sflag:s7] =	ssyncadd.s32 $0xFFFFFE70  }
0x6e: {  	[tilespmem:s13], [sflag:$0x2] =	stream.linear.gather [hbm4b:s28+s6], $0x190, $0x38;
	[tilespmem:$0x1DC40] =	vst v63  }
0x6f: {  	_ =	swait.ge [sflag:s7], $0x190  }
0x70: {  	[sflag:s7] =	ssyncset.done $0x0  }
0x71: {  	s10 =	rddreg [dreg:$0x1d];
	[sflag:s7] =	ssyncadd.s32 $0xFFFFFE70  }
0x72: {  	[tilespmem:s8], [sflag:$0x2] =	stream.linear.gather [hbm4b:s10+s6], $0x1900, $0x38;
	[tilespmem:$0x1DC40] =	vst v63  }
0x73: {  	_ =	swait.ge [sflag:s7], $0x1900  }
0x74: {  	[sflag:s7] =	ssyncset.done $0x0  }
0x75: {  	[sflag:s7] =	ssyncadd.s32 $0xFFFFE700  }
0x76: {  	[tilespmem:s14], [sflag:$0x1] =	stream.indirect.gather [hbm4b:s0+s12], $0x80, s6, s12, $0xb8;
	[tilespmem:$0x1DC40] =	vst v63  }
0x77: {  	_ =	swait.ge [sflag:s15], $0x2800  }
0x78: {  	[sflag:s15] =	ssyncset.done $0x0  }
0x79: {  	[sflag:s15] =	ssyncadd.s32 $0xFFFFD800  }
0x7a: {  	[spmem:s2] =	stream.indirect.scatter.add.f32 [tilespmem:s14], [sflag:$0x2], $0x80, s13, s12, $0xb8;
	[tilespmem:$0x1DC40] =	vst v63  }
0x7b: {  	_ =	swait.ge [sflag:s7], $0x2800  }
0x7c: {  	[sflag:s7] =	ssyncset.done $0x0  }
0x7d: {  	[sflag:s7] =	ssyncadd.s32 $0xFFFFD800  }
0x7e: {  	[spmem:s4] =	stream.indirect.scatter.add.f32 [tilespmem:s8], [sflag:$0x2], $0x10, s13, s12, $0xb8;
	[tilespmem:$0x1DC40] =	vst v63  }
0x7f: {  	_ =	swait.ge [sflag:s7], $0x500  }
0x80: {  	[sflag:s7] =	ssyncset.done $0x0  }
0x81: {  	[sflag:s7] =	ssyncadd.s32 $0xFFFFFB00  }
0x82: {  	[spmem:s5] =	stream.indirect.scatter.add.f32 [tilespmem:s9], [sflag:$0x2], $0x10, s13, s12, $0xb8;
	[tilespmem:$0x1DC40] =	vst v63  }
0x83: {  	_ =	swait.ge [sflag:s7], $0x500  }
0x84: {  	[sflag:s7] =	ssyncset.done $0x0  }
0x85: {  	[sflag:s7] =	ssyncadd.s32 $0xFFFFFB00  }
0x86: {  	[tilespmem:s14], [sflag:$0x1] =	stream.indirect.gather [hbm4b:s0+s12], $0x80, s12, s12, $0xb8;
	[tilespmem:$0x1DC40] =	vst v63  }
0x87: {  	_ =	swait.ge [sflag:s15], $0x2800  }
0x88: {  	[sflag:s15] =	ssyncset.done $0x0  }
0x89: {  	[sflag:s15] =	ssyncadd.s32 $0xFFFFD800  }
0x8a: {  	[spmem:s2] =	stream.indirect.scatter.add.f32 [tilespmem:s14], [sflag:$0x2], $0x80, s16, s12, $0xb8;
	[tilespmem:$0x1DC40] =	vst v63  }
0x8b: {  	_ =	swait.ge [sflag:s7], $0x2800  }
0x8c: {  	[sflag:s7] =	ssyncset.done $0x0  }
0x8d: {  	[sflag:s7] =	ssyncadd.s32 $0xFFFFD800  }
0x8e: {  	[spmem:s4] =	stream.indirect.scatter.add.f32 [tilespmem:s18], [sflag:$0x2], $0x10, s16, s12, $0xb8;
	[tilespmem:$0x1DC40] =	vst v63  }
0x8f: {  	_ =	swait.ge [sflag:s7], $0x500  }
0x90: {  	[sflag:s7] =	ssyncset.done $0x0  }
0x91: {  	[sflag:s7] =	ssyncadd.s32 $0xFFFFFB00  }
0x92: {  	[spmem:s5] =	stream.indirect.scatter.add.f32 [tilespmem:s9], [sflag:$0x2], $0x10, s16, s12, $0xb8;
	[tilespmem:$0x1DC40] =	vst v63  }
0x93: {  	_ =	swait.ge [sflag:s7], $0x500  }
0x94: {  	[sflag:s7] =	ssyncset.done $0x0  }
0x95: {  	[sflag:s7] =	ssyncadd.s32 $0xFFFFFB00  }
0x96: {  	[tilespmem:s14], [sflag:$0x1] =	stream.indirect.gather [hbm4b:s0+s12], $0x80, s19, s12, $0xb8;
	[tilespmem:$0x1DC40] =	vst v63  }
0x97: {  	_ =	swait.ge [sflag:s15], $0x2800  }
0x98: {  	[sflag:s15] =	ssyncset.done $0x0  }
0x99: {  	[sflag:s15] =	ssyncadd.s32 $0xFFFFD800  }
0x9a: {  	[spmem:s2] =	stream.indirect.scatter.add.f32 [tilespmem:s14], [sflag:$0x2], $0x80, s20, s12, $0xb8;
	[tilespmem:$0x1DC40] =	vst v63  }
0x9b: {  	_ =	swait.ge [sflag:s7], $0x2800  }
0x9c: {  	[sflag:s7] =	ssyncset.done $0x0  }
0x9d: {  	[sflag:s7] =	ssyncadd.s32 $0xFFFFD800  }
0x9e: {  	[spmem:s4] =	stream.indirect.scatter.add.f32 [tilespmem:s21], [sflag:$0x2], $0x10, s20, s12, $0xb8;
	[tilespmem:$0x1DC40] =	vst v63  }
0x9f: {  	_ =	swait.ge [sflag:s7], $0x500  }
0xa0: {  	[sflag:s7] =	ssyncset.done $0x0  }
0xa1: {  	[sflag:s7] =	ssyncadd.s32 $0xFFFFFB00  }
0xa2: {  	[spmem:s5] =	stream.indirect.scatter.add.f32 [tilespmem:s9], [sflag:$0x2], $0x10, s20, s12, $0xb8;
	[tilespmem:$0x1DC40] =	vst v63  }
0xa3: {  	_ =	swait.ge [sflag:s7], $0x500  }
0xa4: {  	[sflag:s7] =	ssyncset.done $0x0  }
0xa5: {  	[sflag:s7] =	ssyncadd.s32 $0xFFFFFB00  }
0xa6: {  	[tilespmem:s14], [sflag:$0x1] =	stream.indirect.gather [hbm4b:s0+s12], $0x80, s22, s12, $0xb8;
	[tilespmem:$0x1DC40] =	vst v63  }
0xa7: {  	_ =	swait.ge [sflag:s15], $0x2800  }
0xa8: {  	[sflag:s15] =	ssyncset.done $0x0  }
0xa9: {  	[sflag:s15] =	ssyncadd.s32 $0xFFFFD800  }
0xaa: {  	[spmem:s2] =	stream.indirect.scatter.add.f32 [tilespmem:s14], [sflag:$0x2], $0x80, s23, s12, $0xb8;
	[tilespmem:$0x1DC40] =	vst v63  }
0xab: {  	_ =	swait.ge [sflag:s7], $0x2800  }
0xac: {  	[sflag:s7] =	ssyncset.done $0x0  }
0xad: {  	[sflag:s7] =	ssyncadd.s32 $0xFFFFD800  }
0xae: {  	[spmem:s4] =	stream.indirect.scatter.add.f32 [tilespmem:s24], [sflag:$0x2], $0x10, s23, s12, $0xb8;
	[tilespmem:$0x1DC40] =	vst v63  }
0xaf: {  	_ =	swait.ge [sflag:s7], $0x500  }
0xb0: {  	[sflag:s7] =	ssyncset.done $0x0  }
0xb1: {  	[sflag:s7] =	ssyncadd.s32 $0xFFFFFB00  }
0xb2: {  	[spmem:s5] =	stream.indirect.scatter.add.f32 [tilespmem:s9], [sflag:$0x2], $0x10, s23, s12, $0xb8;
	[tilespmem:$0x1DC40] =	vst v63  }
0xb3: {  	_ =	swait.ge [sflag:s7], $0x500  }
0xb4: {  	[sflag:s7] =	ssyncset.done $0x0  }
0xb5: {  	[sflag:s7] =	ssyncadd.s32 $0xFFFFFB00  }
0xb6: {  	[tilespmem:s14], [sflag:$0x1] =	stream.indirect.gather [hbm4b:s0+s12], $0x80, s25, s12, $0xb8;
	[tilespmem:$0x1DC40] =	vst v63  }
0xb7: {  	_ =	swait.ge [sflag:s15], $0x2800  }
0xb8: {  	[sflag:s15] =	ssyncset.done $0x0  }
0xb9: {  	[sflag:s15] =	ssyncadd.s32 $0xFFFFD800  }
0xba: {  	[spmem:s2] =	stream.indirect.scatter.add.f32 [tilespmem:s14], [sflag:$0x2], $0x80, s26, s12, $0xb8;
	[tilespmem:$0x1DC40] =	vst v63  }
0xbb: {  	_ =	swait.ge [sflag:s7], $0x2800  }
0xbc: {  	[sflag:s7] =	ssyncset.done $0x0  }
0xbd: {  	[sflag:s7] =	ssyncadd.s32 $0xFFFFD800  }
0xbe: {  	[spmem:s4] =	stream.indirect.scatter.add.f32 [tilespmem:s29], [sflag:$0x2], $0x10, s26, s12, $0xb8;
	[tilespmem:$0x1DC40] =	vst v63  }
0xbf: {  	_ =	swait.ge [sflag:s7], $0x500  }
0xc0: {  	[sflag:s7] =	ssyncset.done $0x0  }
0xc1: {  	[sflag:s7] =	ssyncadd.s32 $0xFFFFFB00  }
0xc2: {  	[spmem:s5] =	stream.indirect.scatter.add.f32 [tilespmem:s9], [sflag:$0x2], $0x10, s26, s12, $0xb8;
	[tilespmem:$0x1DC40] =	vst v63  }
0xc3: {  	s31 =	simm.s32 $0x32;
	_ =	swait.ge [sflag:s7], $0x500  }
.LBB2_4:
0xc4: {  	s11 =	rddreg [dreg:$0x7];
	s28 =	smov.u32 s31;
	[sflag:s7] =	ssyncset.done $0x0  }
0xc5: {  	s11 =	sadd.s32 s28, s11;
	[sflag:s7] =	ssyncadd.s32 $0xFFFFFB00  }
0xc6: {  	[tilespmem:s6], [sflag:$0x2] =	stream.linear.gather [hbm4b:s11+s6], $0x190, $0x38;
	[tilespmem:$0x1DC40] =	vst v63  }
0xc7: {  	_ =	swait.ge [sflag:s7], $0x190  }
0xc8: {  	[sflag:s7] =	ssyncset.done $0x0  }
0xc9: {  	s28 =	sadd.s32 s28, s3;
	[sflag:s7] =	ssyncadd.s32 $0xFFFFFE70  }
0xca: {  	[tilespmem:s13], [sflag:$0x2] =	stream.linear.gather [hbm4b:s28+s6], $0x190, $0x38;
	[tilespmem:$0x1DC40] =	vst v63  }
0xcb: {  	_ =	swait.ge [sflag:s7], $0x190  }
0xcc: {  	[sflag:s7] =	ssyncset.done $0x0  }
0xcd: {  	s10 =	sadd.s32 $0x320, s10;
	[sflag:s7] =	ssyncadd.s32 $0xFFFFFE70  }
0xce: {  	[tilespmem:s8], [sflag:$0x2] =	stream.linear.gather [hbm4b:s10+s6], $0x1900, $0x38;
	[tilespmem:$0x1DC40] =	vst v63  }
0xcf: {  	_ =	swait.ge [sflag:s7], $0x1900  }
0xd0: {  	[sflag:s7] =	ssyncset.done $0x0  }
0xd1: {  	[sflag:s7] =	ssyncadd.s32 $0xFFFFE700  }
0xd2: {  	[tilespmem:s14], [sflag:$0x1] =	stream.indirect.gather [hbm4b:s0+s12], $0x80, s6, s12, $0xb8;
	[tilespmem:$0x1DC40] =	vst v63  }
0xd3: {  	_ =	swait.ge [sflag:s15], $0x2800  }
0xd4: {  	[sflag:s15] =	ssyncset.done $0x0  }
0xd5: {  	[sflag:s15] =	ssyncadd.s32 $0xFFFFD800  }
0xd6: {  	[spmem:s2] =	stream.indirect.scatter.add.f32 [tilespmem:s14], [sflag:$0x2], $0x80, s13, s12, $0xb8;
	[tilespmem:$0x1DC40] =	vst v63  }
0xd7: {  	_ =	swait.ge [sflag:s7], $0x2800  }
0xd8: {  	[sflag:s7] =	ssyncset.done $0x0  }
0xd9: {  	[sflag:s7] =	ssyncadd.s32 $0xFFFFD800  }
0xda: {  	[spmem:s4] =	stream.indirect.scatter.add.f32 [tilespmem:s8], [sflag:$0x2], $0x10, s13, s12, $0xb8;
	[tilespmem:$0x1DC40] =	vst v63  }
0xdb: {  	_ =	swait.ge [sflag:s7], $0x500  }
0xdc: {  	[sflag:s7] =	ssyncset.done $0x0  }
0xdd: {  	[sflag:s7] =	ssyncadd.s32 $0xFFFFFB00  }
0xde: {  	[spmem:s5] =	stream.indirect.scatter.add.f32 [tilespmem:s9], [sflag:$0x2], $0x10, s13, s12, $0xb8;
	[tilespmem:$0x1DC40] =	vst v63  }
0xdf: {  	_ =	swait.ge [sflag:s7], $0x500  }
0xe0: {  	[sflag:s7] =	ssyncset.done $0x0  }
0xe1: {  	[sflag:s7] =	ssyncadd.s32 $0xFFFFFB00  }
0xe2: {  	[tilespmem:s14], [sflag:$0x1] =	stream.indirect.gather [hbm4b:s0+s12], $0x80, s12, s12, $0xb8;
	[tilespmem:$0x1DC40] =	vst v63  }
0xe3: {  	_ =	swait.ge [sflag:s15], $0x2800  }
0xe4: {  	[sflag:s15] =	ssyncset.done $0x0  }
0xe5: {  	[sflag:s15] =	ssyncadd.s32 $0xFFFFD800  }
0xe6: {  	[spmem:s2] =	stream.indirect.scatter.add.f32 [tilespmem:s14], [sflag:$0x2], $0x80, s16, s12, $0xb8;
	[tilespmem:$0x1DC40] =	vst v63  }
0xe7: {  	_ =	swait.ge [sflag:s7], $0x2800  }
0xe8: {  	[sflag:s7] =	ssyncset.done $0x0  }
0xe9: {  	[sflag:s7] =	ssyncadd.s32 $0xFFFFD800  }
0xea: {  	[spmem:s4] =	stream.indirect.scatter.add.f32 [tilespmem:s18], [sflag:$0x2], $0x10, s16, s12, $0xb8;
	[tilespmem:$0x1DC40] =	vst v63  }
0xeb: {  	_ =	swait.ge [sflag:s7], $0x500  }
0xec: {  	[sflag:s7] =	ssyncset.done $0x0  }
0xed: {  	[sflag:s7] =	ssyncadd.s32 $0xFFFFFB00  }
0xee: {  	[spmem:s5] =	stream.indirect.scatter.add.f32 [tilespmem:s9], [sflag:$0x2], $0x10, s16, s12, $0xb8;
	[tilespmem:$0x1DC40] =	vst v63  }
0xef: {  	_ =	swait.ge [sflag:s7], $0x500  }
0xf0: {  	[sflag:s7] =	ssyncset.done $0x0  }
0xf1: {  	[sflag:s7] =	ssyncadd.s32 $0xFFFFFB00  }
0xf2: {  	[tilespmem:s14], [sflag:$0x1] =	stream.indirect.gather [hbm4b:s0+s12], $0x80, s19, s12, $0xb8;
	[tilespmem:$0x1DC40] =	vst v63  }
0xf3: {  	_ =	swait.ge [sflag:s15], $0x2800  }
0xf4: {  	[sflag:s15] =	ssyncset.done $0x0  }
0xf5: {  	[sflag:s15] =	ssyncadd.s32 $0xFFFFD800  }
0xf6: {  	[spmem:s2] =	stream.indirect.scatter.add.f32 [tilespmem:s14], [sflag:$0x2], $0x80, s20, s12, $0xb8;
	[tilespmem:$0x1DC40] =	vst v63  }
0xf7: {  	_ =	swait.ge [sflag:s7], $0x2800  }
0xf8: {  	[sflag:s7] =	ssyncset.done $0x0  }
0xf9: {  	[sflag:s7] =	ssyncadd.s32 $0xFFFFD800  }
0xfa: {  	[spmem:s4] =	stream.indirect.scatter.add.f32 [tilespmem:s21], [sflag:$0x2], $0x10, s20, s12, $0xb8;
	[tilespmem:$0x1DC40] =	vst v63  }
0xfb: {  	_ =	swait.ge [sflag:s7], $0x500  }
0xfc: {  	[sflag:s7] =	ssyncset.done $0x0  }
0xfd: {  	[sflag:s7] =	ssyncadd.s32 $0xFFFFFB00  }
0xfe: {  	[spmem:s5] =	stream.indirect.scatter.add.f32 [tilespmem:s9], [sflag:$0x2], $0x10, s20, s12, $0xb8;
	[tilespmem:$0x1DC40] =	vst v63  }
0xff: {  	_ =	swait.ge [sflag:s7], $0x500  }
0x100: {  	[sflag:s7] =	ssyncset.done $0x0  }
0x101: {  	[sflag:s7] =	ssyncadd.s32 $0xFFFFFB00  }
0x102: {  	[tilespmem:s14], [sflag:$0x1] =	stream.indirect.gather [hbm4b:s0+s12], $0x80, s22, s12, $0xb8;
	[tilespmem:$0x1DC40] =	vst v63  }
0x103: {  	_ =	swait.ge [sflag:s15], $0x2800  }
0x104: {  	[sflag:s15] =	ssyncset.done $0x0  }
0x105: {  	[sflag:s15] =	ssyncadd.s32 $0xFFFFD800  }
0x106: {  	[spmem:s2] =	stream.indirect.scatter.add.f32 [tilespmem:s14], [sflag:$0x2], $0x80, s23, s12, $0xb8;
	[tilespmem:$0x1DC40] =	vst v63  }
0x107: {  	_ =	swait.ge [sflag:s7], $0x2800  }
0x108: {  	[sflag:s7] =	ssyncset.done $0x0  }
0x109: {  	[sflag:s7] =	ssyncadd.s32 $0xFFFFD800  }
0x10a: {  	[spmem:s4] =	stream.indirect.scatter.add.f32 [tilespmem:s24], [sflag:$0x2], $0x10, s23, s12, $0xb8;
	[tilespmem:$0x1DC40] =	vst v63  }
0x10b: {  	_ =	swait.ge [sflag:s7], $0x500  }
0x10c: {  	[sflag:s7] =	ssyncset.done $0x0  }
0x10d: {  	[sflag:s7] =	ssyncadd.s32 $0xFFFFFB00  }
0x10e: {  	[spmem:s5] =	stream.indirect.scatter.add.f32 [tilespmem:s9], [sflag:$0x2], $0x10, s23, s12, $0xb8;
	[tilespmem:$0x1DC40] =	vst v63  }
0x10f: {  	_ =	swait.ge [sflag:s7], $0x500  }
0x110: {  	[sflag:s7] =	ssyncset.done $0x0  }
0x111: {  	[sflag:s7] =	ssyncadd.s32 $0xFFFFFB00  }
0x112: {  	[tilespmem:s14], [sflag:$0x1] =	stream.indirect.gather [hbm4b:s0+s12], $0x80, s25, s12, $0xb8;
	[tilespmem:$0x1DC40] =	vst v63  }
0x113: {  	_ =	swait.ge [sflag:s15], $0x2800  }
0x114: {  	[sflag:s15] =	ssyncset.done $0x0  }
0x115: {  	[sflag:s15] =	ssyncadd.s32 $0xFFFFD800  }
0x116: {  	[spmem:s2] =	stream.indirect.scatter.add.f32 [tilespmem:s14], [sflag:$0x2], $0x80, s26, s12, $0xb8;
	[tilespmem:$0x1DC40] =	vst v63  }
0x117: {  	_ =	swait.ge [sflag:s7], $0x2800  }
0x118: {  	[sflag:s7] =	ssyncset.done $0x0  }
0x119: {  	p0 =	sne.s32 s31, $0x4B0;
	[sflag:s7] =	ssyncadd.s32 $0xFFFFD800  }
0x11a: {  	[spmem:s4] =	stream.indirect.scatter.add.f32 [tilespmem:s29], [sflag:$0x2], $0x10, s26, s12, $0xb8;
	[tilespmem:$0x1DC40] =	vst v63  }
.Ltmp1:
0x11b: {  	_ =	swait.ge [sflag:s7], $0x500;
	(pc) =	sbr.rel @p0 .LBB2_4-.Ltmp1, $4  }
0x11c: {  	[sflag:s7] =	ssyncset.done $0x0  }
0x11d: {  	[sflag:s7] =	ssyncadd.s32 $0xFFFFFB00  }
0x11e: {  	[spmem:s5] =	stream.indirect.scatter.add.f32 [tilespmem:s9], [sflag:$0x2], $0x10, s26, s12, $0xb8;
	[tilespmem:$0x1DC40] =	vst v63  }
0x11f: {  	s31 =	sadd.s32 $0x32, s31;
	_ =	swait.ge [sflag:s7], $0x500  }
0x120: {  	[sflag:s7] =	ssyncset.done $0x0  }
0x121: {  	[sflag:s7] =	ssyncadd.s32 $0xFFFFFB00  }
0x122: {  	[bflag:$0x0] =	sbarrier.arrive $0xFFFF  }
0x123: {  	[tilespmem:s1], [sflag:$0x2] =	stream.linear.gather [spmem:s30], $0xC80, $0x38;
	[tilespmem:$0x1DC40] =	vst v63  }
0x124: {  	_ =	swait.ge [sflag:s7], $0xC80  }
0x125: {  	[sflag:s7] =	ssyncset.done $0x0  }
0x126: {  	s10 =	sadd.s32 $0x0, s17;
	[sflag:s7] =	ssyncadd.s32 $0xFFFFF380  }
0x127: {  	[hbm4b:s10+s6] =	stream.linear.scatter [tilespmem:s1], [sflag:$0x2], $0xC80, $0x38;
	[tilespmem:$0x1DC40] =	vst v63  }
0x128: {  	_ =	swait.ge [sflag:s7], $0xC80  }
0x129: {  	s31 =	smov.u32 s30;
	s10 =	simm.s32 $0x190;
	[sflag:s7] =	ssyncset.done $0x0  }
.LBB2_6:
0x12a: {  	p0 =	sne.s32 s10, $0x2580;
	[sflag:s7] =	ssyncadd.s32 $0xFFFFF380;
	s31 =	sadd.s32 $0xC80, s31  }
0x12b: {  	[tilespmem:s1], [sflag:$0x2] =	stream.linear.gather [spmem:s31], $0xC80, $0x38;
	[tilespmem:$0x1DC40] =	vst v63  }
0x12c: {  	s11 =	smov.u32 s10;
	s10 =	sadd.s32 $0x190, s10;
	_ =	swait.ge [sflag:s7], $0xC80  }
.Ltmp2:
0x12d: {  	[sflag:s7] =	ssyncset.done $0x0;
	(pc) =	sbr.rel @p0 .LBB2_6-.Ltmp2, $4  }
0x12e: {  	s11 =	sadd.s32 s11, s17;
	[sflag:s7] =	ssyncadd.s32 $0xFFFFF380  }
0x12f: {  	[hbm4b:s11+s6] =	stream.linear.scatter [tilespmem:s1], [sflag:$0x2], $0xC80, $0x38;
	[tilespmem:$0x1DC40] =	vst v63  }
0x130: {  	_ =	swait.ge [sflag:s7], $0xC80  }
0x131: {  	[sflag:s7] =	ssyncset.done $0x0  }
0x132: {  	[sflag:s7] =	ssyncadd.s32 $0xFFFFF380;
	s10 =	rddreg [dreg:$0xd]  }
0x133: {  	[tilespmem:s8], [sflag:$0x2] =	stream.linear.gather [spmem:s10], $0x7D0, $0x38;
	[tilespmem:$0x1DC40] =	vst v63  }
0x134: {  	_ =	swait.ge [sflag:s7], $0x7D0  }
0x135: {  	s11 =	rddreg [dreg:$0xb]  }
0x136: {  	[sflag:s7] =	ssyncset.done $0x0;
	s31 =	rddreg [dreg:$0x1b]  }
0x137: {  	[sflag:s7] =	ssyncadd.s32 $0xFFFFF830;
	s10 =	sadd.s32 s31, s11  }
0x138: {  	[hbm4b:s10+s6] =	stream.linear.scatter [tilespmem:s8], [sflag:$0x2], $0x7D0, $0x38;
	[tilespmem:$0x1DC40] =	vst v63  }
0x139: {  	_ =	swait.ge [sflag:s7], $0x7D0  }
0x13a: {  	[sflag:s7] =	ssyncset.done $0x0  }
0x13b: {  	s10 =	rddreg [dreg:$0xf];
	[sflag:s7] =	ssyncadd.s32 $0xFFFFF830  }
0x13c: {  	[tilespmem:s8], [sflag:$0x2] =	stream.linear.gather [spmem:s10], $0x7D0, $0x38;
	[tilespmem:$0x1DC40] =	vst v63  }
0x13d: {  	_ =	swait.ge [sflag:s7], $0x7D0  }
0x13e: {  	[sflag:s7] =	ssyncset.done $0x0;
	s28 =	rddreg [dreg:$0xc]  }
0x13f: {  	[sflag:s7] =	ssyncadd.s32 $0xFFFFF830;
	s31 =	sadd.s32 s31, s28  }
0x140: {  	[hbm4b:s31+s6] =	stream.linear.scatter [tilespmem:s8], [sflag:$0x2], $0x7D0, $0x38;
	[tilespmem:$0x1DC40] =	vst v63  }
0x141: {  	_ =	swait.ge [sflag:s7], $0x7D0  }
0x142: {  	[sflag:s7] =	ssyncset.done $0x0  }
0x143: {  	s31 =	rddreg [dreg:$0x10];
	[sflag:s7] =	ssyncadd.s32 $0xFFFFF830  }
0x144: {  	[tilespmem:s8], [sflag:$0x2] =	stream.linear.gather [spmem:s31], $0x7D0, $0x38;
	[tilespmem:$0x1DC40] =	vst v63  }
0x145: {  	_ =	swait.ge [sflag:s7], $0x7D0  }
0x146: {  	[sflag:s7] =	ssyncset.done $0x0;
	s31 =	rddreg [dreg:$0x18]  }
0x147: {  	[sflag:s7] =	ssyncadd.s32 $0xFFFFF830;
	s10 =	sadd.s32 s31, s11  }
0x148: {  	[hbm4b:s10+s6] =	stream.linear.scatter [tilespmem:s8], [sflag:$0x2], $0x7D0, $0x38;
	[tilespmem:$0x1DC40] =	vst v63  }
0x149: {  	_ =	swait.ge [sflag:s7], $0x7D0  }
0x14a: {  	[sflag:s7] =	ssyncset.done $0x0  }
0x14b: {  	s10 =	rddreg [dreg:$0x11];
	[sflag:s7] =	ssyncadd.s32 $0xFFFFF830  }
0x14c: {  	[tilespmem:s8], [sflag:$0x2] =	stream.linear.gather [spmem:s10], $0x7D0, $0x38;
	[tilespmem:$0x1DC40] =	vst v63  }
0x14d: {  	_ =	swait.ge [sflag:s7], $0x7D0  }
0x14e: {  	[sflag:s7] =	ssyncset.done $0x0  }
0x14f: {  	s31 =	sadd.s32 s31, s28;
	[sflag:s7] =	ssyncadd.s32 $0xFFFFF830  }
0x150: {  	[hbm4b:s31+s6] =	stream.linear.scatter [tilespmem:s8], [sflag:$0x2], $0x7D0, $0x38;
	[tilespmem:$0x1DC40] =	vst v63  }
0x151: {  	_ =	swait.ge [sflag:s7], $0x7D0  }
0x152: {  	[sflag:s7] =	ssyncset.done $0x0  }
0x153: {  	s31 =	rddreg [dreg:$0x12];
	[sflag:s7] =	ssyncadd.s32 $0xFFFFF830  }
0x154: {  	[tilespmem:s8], [sflag:$0x2] =	stream.linear.gather [spmem:s31], $0x7D0, $0x38;
	[tilespmem:$0x1DC40] =	vst v63  }
0x155: {  	_ =	swait.ge [sflag:s7], $0x7D0  }
0x156: {  	[sflag:s7] =	ssyncset.done $0x0;
	s31 =	rddreg [dreg:$0x19]  }
0x157: {  	[sflag:s7] =	ssyncadd.s32 $0xFFFFF830;
	s10 =	sadd.s32 s31, s11  }
0x158: {  	[hbm4b:s10+s6] =	stream.linear.scatter [tilespmem:s8], [sflag:$0x2], $0x7D0, $0x38;
	[tilespmem:$0x1DC40] =	vst v63  }
0x159: {  	_ =	swait.ge [sflag:s7], $0x7D0  }
0x15a: {  	[sflag:s7] =	ssyncset.done $0x0  }
0x15b: {  	s10 =	rddreg [dreg:$0x13];
	[sflag:s7] =	ssyncadd.s32 $0xFFFFF830  }
0x15c: {  	[tilespmem:s8], [sflag:$0x2] =	stream.linear.gather [spmem:s10], $0x7D0, $0x38;
	[tilespmem:$0x1DC40] =	vst v63  }
0x15d: {  	_ =	swait.ge [sflag:s7], $0x7D0  }
0x15e: {  	[sflag:s7] =	ssyncset.done $0x0  }
0x15f: {  	s31 =	sadd.s32 s31, s28;
	[sflag:s7] =	ssyncadd.s32 $0xFFFFF830  }
0x160: {  	[hbm4b:s31+s6] =	stream.linear.scatter [tilespmem:s8], [sflag:$0x2], $0x7D0, $0x38;
	[tilespmem:$0x1DC40] =	vst v63  }
0x161: {  	_ =	swait.ge [sflag:s7], $0x7D0  }
0x162: {  	[sflag:s7] =	ssyncset.done $0x0  }
0x163: {  	s31 =	rddreg [dreg:$0x14];
	[sflag:s7] =	ssyncadd.s32 $0xFFFFF830  }
0x164: {  	[tilespmem:s8], [sflag:$0x2] =	stream.linear.gather [spmem:s31], $0x7D0, $0x38;
	[tilespmem:$0x1DC40] =	vst v63  }
0x165: {  	_ =	swait.ge [sflag:s7], $0x7D0  }
0x166: {  	[sflag:s7] =	ssyncset.done $0x0;
	s31 =	rddreg [dreg:$0x1a]  }
0x167: {  	[sflag:s7] =	ssyncadd.s32 $0xFFFFF830;
	s10 =	sadd.s32 s31, s11  }
0x168: {  	[hbm4b:s10+s6] =	stream.linear.scatter [tilespmem:s8], [sflag:$0x2], $0x7D0, $0x38;
	[tilespmem:$0x1DC40] =	vst v63  }
0x169: {  	_ =	swait.ge [sflag:s7], $0x7D0  }
0x16a: {  	[sflag:s7] =	ssyncset.done $0x0  }
0x16b: {  	s10 =	rddreg [dreg:$0x15];
	[sflag:s7] =	ssyncadd.s32 $0xFFFFF830  }
0x16c: {  	[tilespmem:s8], [sflag:$0x2] =	stream.linear.gather [spmem:s10], $0x7D0, $0x38;
	[tilespmem:$0x1DC40] =	vst v63  }
0x16d: {  	_ =	swait.ge [sflag:s7], $0x7D0  }
0x16e: {  	[sflag:s7] =	ssyncset.done $0x0  }
0x16f: {  	s31 =	sadd.s32 s31, s28;
	[sflag:s7] =	ssyncadd.s32 $0xFFFFF830  }
0x170: {  	[hbm4b:s31+s6] =	stream.linear.scatter [tilespmem:s8], [sflag:$0x2], $0x7D0, $0x38;
	[tilespmem:$0x1DC40] =	vst v63  }
0x171: {  	_ =	swait.ge [sflag:s7], $0x7D0  }
0x172: {  	[sflag:s7] =	ssyncset.done $0x0  }
0x173: {  	s31 =	rddreg [dreg:$0x16];
	[sflag:s7] =	ssyncadd.s32 $0xFFFFF830  }
0x174: {  	[tilespmem:s8], [sflag:$0x2] =	stream.linear.gather [spmem:s31], $0x7D0, $0x38;
	[tilespmem:$0x1DC40] =	vst v63  }
0x175: {  	_ =	swait.ge [sflag:s7], $0x7D0  }
0x176: {  	[sflag:s7] =	ssyncset.done $0x0;
	s31 =	rddreg [dreg:$0x1c]  }
0x177: {  	[sflag:s7] =	ssyncadd.s32 $0xFFFFF830;
	s11 =	sadd.s32 s31, s11  }
0x178: {  	[hbm4b:s11+s6] =	stream.linear.scatter [tilespmem:s8], [sflag:$0x2], $0x7D0, $0x38;
	[tilespmem:$0x1DC40] =	vst v63  }
0x179: {  	_ =	swait.ge [sflag:s7], $0x7D0  }
0x17a: {  	[sflag:s7] =	ssyncset.done $0x0  }
0x17b: {  	s11 =	rddreg [dreg:$0x17];
	[sflag:s7] =	ssyncadd.s32 $0xFFFFF830  }
0x17c: {  	[tilespmem:s8], [sflag:$0x2] =	stream.linear.gather [spmem:s11], $0x7D0, $0x38;
	[tilespmem:$0x1DC40] =	vst v63  }
0x17d: {  	_ =	swait.ge [sflag:s7], $0x7D0  }
0x17e: {  	[sflag:s7] =	ssyncset.done $0x0  }
0x17f: {  	s31 =	sadd.s32 s31, s28;
	[sflag:s7] =	ssyncadd.s32 $0xFFFFF830  }
0x180: {  	[hbm4b:s31+s6] =	stream.linear.scatter [tilespmem:s8], [sflag:$0x2], $0x7D0, $0x38;
	[tilespmem:$0x1DC40] =	vst v63  }
0x181: {  	_ =	swait.ge [sflag:s7], $0x7D0  }
0x182: {  	s28 =	rddreg [dreg:$0x1e]  }
0x183: {  	s31 =	rddreg [dreg:$0xe];
	s28 =	sadd.s32 $0x1, s28  }
0x184: {  	p0 =	sne.s32 s28, s31  }
.Ltmp3:
0x185: {  	_ = 	snop;
	(pc) =	sbr.rel @p0 .LBB2_1-.Ltmp3, $3  }
0x186: {  	_ =	sdelay $0x1  }
0x187: {  	[sflag:s7] =	ssyncset.done $0x0  }
0x188: {  	[sflag:s7] =	ssyncadd.s32 $0xFFFFF830  }
0x189: {  	_ =	sfence.sel $0x180000  }
0x18a: {  	[bflag:$0x0] =	sbarrier.arrive $0xFFFF  }
0x18b: {  	_ =	strace $0x90000047  }
0x18c: {  	s0 =	stileid.u32;
	[bflag:$0x2] =	sbarrier.arrive $0xFFFF  }
0x18d: {  	p0 =	sne.s32 s0, $0x0;
	s0 =	rddreg [dreg:$0x6]  }
0x18e: {  	s0 =	sadd.s32 @!p0 $0x100000, s0  }
0x18f: {  	[sflag:s0] =	ssyncadd.tile.s32 @!p0 $0x1;
	_ =	shalt  }
.Lfunc_end2:
_tile_overlayer_lowered:
.L_overlay_start_2:
0x190: {  	(tag) =	ssettag $0x2  }
0x191: {  	s0 =	rddreg [dreg:$0x0];
	s2 =	stileid.u32  }
0x192: {  	s1 =	rddreg [dreg:$0x1];
	p0 =	sne.s32 s2, $0x0  }
0x193: {  	s3 =	rddreg [dreg:$0x2];
	[bflag:$0x3] =	sbarrier.arrive $0xFFFF;
	s2 =	simm.s32 @!p0 $0x1C02  }
0x194: {  	[timem:s3], [sflag:s2] =	dma.local @!p0 [hbm:s0], s1  }
0x195: {  	s0 =	simm.s32 @!p0 $0x2  }
0x196: {  	_ =	swait.ge @!p0 [sflag:s0], s1  }
0x197: {  	s1 =	ssub.s32 @!p0 $0x0, s1;
	[sflag:s0] =	ssyncset.done @!p0 $0x0  }
0x198: {  	[sflag:s0] =	ssyncadd.s32 @!p0 s1  }
0x199: {  	[bflag:$0x3] =	sbarrier.arrive $0xFFFF  }
0x19a: {  	_ =	shalt  }

</sc_bundles>
